<compile_context>
chip_gen: v7x
topology: tpu7x:2x2x1
jax: 0.10.2.dev20260603
libtpu: 0.0.44.dev20260713+nightly
codegen_flags: <defaults>
</compile_context>

<pallas_src>
import functools

import jax
import jax.numpy as jnp
from jax import lax
from jax.experimental import pallas as pl
from jax.experimental.pallas import tpu as pltpu
from jax.experimental.pallas import tpu_sc as plsc

VOCAB = 50257
EMBED = 768
B_TOTAL = 4 * 2048
NUM_WORKERS = 32
B_PER_W = B_TOTAL // NUM_WORKERS
CHUNK = 32
N_CHUNKS = B_PER_W // CHUNK
NBUF = 4
PRIME = NBUF - 1


@functools.partial(
    pl.kernel,
    mesh=plsc.VectorSubcoreMesh(core_axis_name="c", subcore_axis_name="s"),
    out_type=jax.ShapeDtypeStruct((B_TOTAL, EMBED), jnp.float32),
    scratch_types=[
        pltpu.VMEM((B_PER_W,), jnp.int32),
        pltpu.VMEM((NBUF, CHUNK, EMBED), jnp.float32),
        pltpu.SemaphoreType.DMA((NBUF,)),
        pltpu.SemaphoreType.DMA((NBUF,)),
        pltpu.SemaphoreType.DMA,
    ],
)
def _embed_lookup(table_hbm, idx_hbm, out_hbm, idx_v, rows_v, gsem, wsem, isem):
    c = lax.axis_index("c")
    s = lax.axis_index("s")
    wid = s * 2 + c
    base = wid * B_PER_W

    def gather_start(j, b):
        return pltpu.async_copy(
            table_hbm.at[idx_v.at[pl.ds(j * CHUNK, CHUNK)]],
            rows_v.at[b], gsem.at[b])

    def write_copy(j, b):
        return pltpu.make_async_copy(
            rows_v.at[b], out_hbm.at[pl.ds(base + j * CHUNK, CHUNK)],
            wsem.at[b])

    head = PRIME * CHUNK
    pltpu.sync_copy(idx_hbm.at[pl.ds(base, head)], idx_v.at[pl.ds(0, head)])
    idx_rest = pltpu.async_copy(
        idx_hbm.at[pl.ds(base + head, B_PER_W - head)],
        idx_v.at[pl.ds(head, B_PER_W - head)], isem)
    for j in range(PRIME):
        gather_start(j, j)
    idx_rest.wait()

    def body(j, carry):
        b = lax.rem(j, NBUF)
        pltpu.make_async_copy(
            table_hbm.at[idx_v.at[pl.ds(j * CHUNK, CHUNK)]],
            rows_v.at[b], gsem.at[b]).wait()
        write_copy(j, b).start()
        nj = j + PRIME

        @pl.when(nj < N_CHUNKS)
        def _():
            @pl.when(j >= 1)
            def _():
                write_copy(j - 1, lax.rem(j - 1, NBUF)).wait()
            gather_start(nj, lax.rem(nj, NBUF))
        return carry

    lax.fori_loop(0, N_CHUNKS, body, 0)
    for j in range(N_CHUNKS - PRIME - 1, N_CHUNKS):
        write_copy(j, j % NBUF).wait()


def kernel(x, table):
    out = _embed_lookup(table, x.reshape(B_TOTAL).astype(jnp.int32))
    return out.reshape(x.shape[0], x.shape[1], EMBED)

# --- scband reference (transcript-rebuilt; emitter-appended) ---
"""Pipeline reference for scband-token-embedding-79869211837119 (READ-ONLY COPY).

The authoritative reference and input builder live on the scoring server;
editing this copy changes nothing except your own understanding.
"""

import jax, jax.numpy as jnp
import numpy as np

VOCAB = 50257
EMBED = 768

def setup_inputs(seed: int = 0) -> dict:
    key = jax.random.key(seed)
    k1, k2 = jax.random.split(key)
    x = jax.random.randint(k1, (4, 2048), 0, VOCAB, dtype=jnp.int64 if jax.config.jax_enable_x64 else jnp.int32)
    table = jax.random.normal(k2, (VOCAB, EMBED), dtype=jnp.float32) * 0.02
    return {"x": x, "table": table}

def reference(x, table):
    # nn.Embedding forward: gather rows of the embedding table
    return jnp.take(table, x, axis=0)

if __name__ == "__main__":
    import jax
    _d = setup_inputs()
    print(jax.jit(kernel)(*tuple(_d.values())))

</pallas_src>

<mosaic_0001>
#map = affine_map<(d0, d1) -> (0, 0)>
#map1 = affine_map<(d0, d1) -> (0)>
module attributes {stable_mosaic.version = 14 : i64} {
  func.func @_embed_lookup(%arg0: i32, %arg1: i32, %arg2: memref<50257x768xf32, #tpu.memory_space<hbm>>, %arg3: memref<8192xi32, #tpu.memory_space<hbm>>, %arg4: memref<8192x768xf32, #tpu.memory_space<hbm>>, %arg5: memref<256xi32, #tpu.memory_space<vmem>>, %arg6: memref<4x32x768xf32, #tpu.memory_space<vmem>>, %arg7: memref<4x!tpu.dma_semaphore, #tpu.memory_space<semaphore_mem>>, %arg8: memref<4x!tpu.dma_semaphore, #tpu.memory_space<semaphore_mem>>, %arg9: memref<!tpu.dma_semaphore, #tpu.memory_space<semaphore_mem>>) attributes {dimension_semantics = [#tpu.dimension_semantics<core_parallel>, #tpu.dimension_semantics<subcore_parallel>], iteration_bounds = array<i64: 2, 16>, scalar_prefetch = 0 : i64, scratch_operands = 5 : i64, tpu.core_type = #tpu.core_type<sc_vector_subcore>, window_params = [{transform_indices = #map}, {transform_indices = #map1}, {transform_indices = #map}]} {
    %mul3A = arith.constant 2 : i32
    %mul3A_0 = arith.muli %arg1, %mul3A : i32
    %add3A = arith.addi %mul3A_0, %arg0 : i32
    %mul3A_1 = arith.constant 256 : i32
    %mul3A_2 = arith.muli %add3A, %mul3A_1 : i32
    "tpu.region"() ({
      %run_scoped3A = tpu.sem_alloc : memref<!tpu.dma_semaphore, #tpu.memory_space<semaphore_mem>>
      %dma_start3A_131 = arith.constant 0 : i32
      %dma_start3A_132 = tpu.memref_slice %arg5[%dma_start3A_131] : memref<256xi32, #tpu.memory_space<vmem>> -> memref<96xi32, #tpu.memory_space<vmem>>
      %dma_start3A_133 = tpu.memref_slice %arg3[%mul3A_2] : memref<8192xi32, #tpu.memory_space<hbm>> -> memref<96xi32, #tpu.memory_space<hbm>>
      %dma_start3A_134 = arith.constant 0 : i32
      %dma_start3A_135 = tpu.memref_slice %arg5[%dma_start3A_134] : memref<256xi32, #tpu.memory_space<vmem>> -> memref<96xi32, #tpu.memory_space<vmem>>
      %dma_start3A_136 = tpu.memref_slice %arg3[%mul3A_2] : memref<8192xi32, #tpu.memory_space<hbm>> -> memref<96xi32, #tpu.memory_space<hbm>>
      tpu.enqueue_dma source(%dma_start3A_136 : memref<96xi32, #tpu.memory_space<hbm>>) target(%dma_start3A_135 : memref<96xi32, #tpu.memory_space<vmem>>) target_semaphore(%run_scoped3A : memref<!tpu.dma_semaphore, #tpu.memory_space<semaphore_mem>>)
      %dma_wait3A_137 = arith.constant 0 : i32
      %dma_wait3A_138 = tpu.memref_slice %arg5[%dma_wait3A_137] : memref<256xi32, #tpu.memory_space<vmem>> -> memref<96xi32, #tpu.memory_space<vmem>>
      %dma_wait3A_139 = tpu.memref_slice %arg3[%mul3A_2] : memref<8192xi32, #tpu.memory_space<hbm>> -> memref<96xi32, #tpu.memory_space<hbm>>
      %dma_wait3A_140 = arith.constant 0 : i32
      %dma_wait3A_141 = tpu.memref_slice %arg5[%dma_wait3A_140] : memref<256xi32, #tpu.memory_space<vmem>> -> memref<96xi32, #tpu.memory_space<vmem>>
      %dma_wait3A_142 = tpu.memref_slice %arg3[%mul3A_2] : memref<8192xi32, #tpu.memory_space<hbm>> -> memref<96xi32, #tpu.memory_space<hbm>>
      tpu.wait_dma2 semaphore(%run_scoped3A : memref<!tpu.dma_semaphore, #tpu.memory_space<semaphore_mem>>) src(%dma_wait3A_142 : memref<96xi32, #tpu.memory_space<hbm>>) dst(%dma_wait3A_141 : memref<96xi32, #tpu.memory_space<vmem>>)
      tpu.yield
    }) : () -> ()
    %add3A_3 = arith.constant 96 : i32
    %add3A_4 = arith.addi %mul3A_2, %add3A_3 : i32
    %dma_start3A = arith.constant 96 : i32
    %dma_start3A_5 = tpu.memref_slice %arg5[%dma_start3A] : memref<256xi32, #tpu.memory_space<vmem>> -> memref<160xi32, #tpu.memory_space<vmem>>
    %dma_start3A_6 = tpu.memref_slice %arg3[%add3A_4] : memref<8192xi32, #tpu.memory_space<hbm>> -> memref<160xi32, #tpu.memory_space<hbm>>
    %dma_start3A_7 = arith.constant 96 : i32
    %dma_start3A_8 = tpu.memref_slice %arg5[%dma_start3A_7] : memref<256xi32, #tpu.memory_space<vmem>> -> memref<160xi32, #tpu.memory_space<vmem>>
    %dma_start3A_9 = tpu.memref_slice %arg3[%add3A_4] : memref<8192xi32, #tpu.memory_space<hbm>> -> memref<160xi32, #tpu.memory_space<hbm>>
    tpu.enqueue_dma source(%dma_start3A_9 : memref<160xi32, #tpu.memory_space<hbm>>) target(%dma_start3A_8 : memref<160xi32, #tpu.memory_space<vmem>>) target_semaphore(%arg9 : memref<!tpu.dma_semaphore, #tpu.memory_space<semaphore_mem>>)
    %dma_start3A_10 = arith.constant 0 : i32
    %dma_start3A_11 = arith.constant 0 : i32
    %dma_start3A_12 = arith.constant 0 : i32
    %dma_start3A_13 = arith.constant 0 : i32
    %dma_start3A_14 = tpu.memref_slice %arg6[%dma_start3A_10, %dma_start3A_12, %dma_start3A_13] : memref<4x32x768xf32, #tpu.memory_space<vmem>> -> memref<1x32x768xf32, #tpu.memory_space<vmem>>
    %dma_start3A_15 = tpu.memref_squeeze %dma_start3A_14 : memref<1x32x768xf32, #tpu.memory_space<vmem>> -> memref<32x768xf32, #tpu.memory_space<vmem>>
    %dma_start3A_16 = arith.constant 0 : i32
    %dma_start3A_17 = tpu.memref_slice %arg5[%dma_start3A_16] : memref<256xi32, #tpu.memory_space<vmem>> -> memref<32xi32, #tpu.memory_space<vmem>>
    %dma_start3A_18 = arith.constant 0 : i32
    %dma_start3A_19 = arith.constant 0 : i32
    %dma_start3A_20 = tpu.memref_slice %arg2[%dma_start3A_18, %dma_start3A_19] : memref<50257x768xf32, #tpu.memory_space<hbm>> -> memref<50257x768xf32, #tpu.memory_space<hbm>>
    %dma_start3A_21 = tpu.memref_slice %arg7[%dma_start3A_11] : memref<4x!tpu.dma_semaphore, #tpu.memory_space<semaphore_mem>> -> memref<1x!tpu.dma_semaphore, #tpu.memory_space<semaphore_mem>>
    %dma_start3A_22 = tpu.memref_squeeze %dma_start3A_21 : memref<1x!tpu.dma_semaphore, #tpu.memory_space<semaphore_mem>> -> memref<!tpu.dma_semaphore, #tpu.memory_space<semaphore_mem>>
    tpu.enqueue_indirect_dma source(%dma_start3A_20 : memref<50257x768xf32, #tpu.memory_space<hbm>>) target(%dma_start3A_15 : memref<32x768xf32, #tpu.memory_space<vmem>>) offsets(%dma_start3A_17 : memref<32xi32, #tpu.memory_space<vmem>>) semaphore(%dma_start3A_22 : memref<!tpu.dma_semaphore, #tpu.memory_space<semaphore_mem>>)
    %dma_start3A_23 = arith.constant 1 : i32
    %dma_start3A_24 = arith.constant 1 : i32
    %dma_start3A_25 = arith.constant 0 : i32
    %dma_start3A_26 = arith.constant 0 : i32
    %dma_start3A_27 = tpu.memref_slice %arg6[%dma_start3A_23, %dma_start3A_25, %dma_start3A_26] : memref<4x32x768xf32, #tpu.memory_space<vmem>> -> memref<1x32x768xf32, #tpu.memory_space<vmem>>
    %dma_start3A_28 = tpu.memref_squeeze %dma_start3A_27 : memref<1x32x768xf32, #tpu.memory_space<vmem>> -> memref<32x768xf32, #tpu.memory_space<vmem>>
    %dma_start3A_29 = arith.constant 32 : i32
    %dma_start3A_30 = tpu.memref_slice %arg5[%dma_start3A_29] : memref<256xi32, #tpu.memory_space<vmem>> -> memref<32xi32, #tpu.memory_space<vmem>>
    %dma_start3A_31 = arith.constant 0 : i32
    %dma_start3A_32 = arith.constant 0 : i32
    %dma_start3A_33 = tpu.memref_slice %arg2[%dma_start3A_31, %dma_start3A_32] : memref<50257x768xf32, #tpu.memory_space<hbm>> -> memref<50257x768xf32, #tpu.memory_space<hbm>>
    %dma_start3A_34 = tpu.memref_slice %arg7[%dma_start3A_24] : memref<4x!tpu.dma_semaphore, #tpu.memory_space<semaphore_mem>> -> memref<1x!tpu.dma_semaphore, #tpu.memory_space<semaphore_mem>>
    %dma_start3A_35 = tpu.memref_squeeze %dma_start3A_34 : memref<1x!tpu.dma_semaphore, #tpu.memory_space<semaphore_mem>> -> memref<!tpu.dma_semaphore, #tpu.memory_space<semaphore_mem>>
    tpu.enqueue_indirect_dma source(%dma_start3A_33 : memref<50257x768xf32, #tpu.memory_space<hbm>>) target(%dma_start3A_28 : memref<32x768xf32, #tpu.memory_space<vmem>>) offsets(%dma_start3A_30 : memref<32xi32, #tpu.memory_space<vmem>>) semaphore(%dma_start3A_35 : memref<!tpu.dma_semaphore, #tpu.memory_space<semaphore_mem>>)
    %dma_start3A_36 = arith.constant 2 : i32
    %dma_start3A_37 = arith.constant 2 : i32
    %dma_start3A_38 = arith.constant 0 : i32
    %dma_start3A_39 = arith.constant 0 : i32
    %dma_start3A_40 = tpu.memref_slice %arg6[%dma_start3A_36, %dma_start3A_38, %dma_start3A_39] : memref<4x32x768xf32, #tpu.memory_space<vmem>> -> memref<1x32x768xf32, #tpu.memory_space<vmem>>
    %dma_start3A_41 = tpu.memref_squeeze %dma_start3A_40 : memref<1x32x768xf32, #tpu.memory_space<vmem>> -> memref<32x768xf32, #tpu.memory_space<vmem>>
    %dma_start3A_42 = arith.constant 64 : i32
    %dma_start3A_43 = tpu.memref_slice %arg5[%dma_start3A_42] : memref<256xi32, #tpu.memory_space<vmem>> -> memref<32xi32, #tpu.memory_space<vmem>>
    %dma_start3A_44 = arith.constant 0 : i32
    %dma_start3A_45 = arith.constant 0 : i32
    %dma_start3A_46 = tpu.memref_slice %arg2[%dma_start3A_44, %dma_start3A_45] : memref<50257x768xf32, #tpu.memory_space<hbm>> -> memref<50257x768xf32, #tpu.memory_space<hbm>>
    %dma_start3A_47 = tpu.memref_slice %arg7[%dma_start3A_37] : memref<4x!tpu.dma_semaphore, #tpu.memory_space<semaphore_mem>> -> memref<1x!tpu.dma_semaphore, #tpu.memory_space<semaphore_mem>>
    %dma_start3A_48 = tpu.memref_squeeze %dma_start3A_47 : memref<1x!tpu.dma_semaphore, #tpu.memory_space<semaphore_mem>> -> memref<!tpu.dma_semaphore, #tpu.memory_space<semaphore_mem>>
    tpu.enqueue_indirect_dma source(%dma_start3A_46 : memref<50257x768xf32, #tpu.memory_space<hbm>>) target(%dma_start3A_41 : memref<32x768xf32, #tpu.memory_space<vmem>>) offsets(%dma_start3A_43 : memref<32xi32, #tpu.memory_space<vmem>>) semaphore(%dma_start3A_48 : memref<!tpu.dma_semaphore, #tpu.memory_space<semaphore_mem>>)
    %dma_wait3A = arith.constant 96 : i32
    %dma_wait3A_49 = tpu.memref_slice %arg5[%dma_wait3A] : memref<256xi32, #tpu.memory_space<vmem>> -> memref<160xi32, #tpu.memory_space<vmem>>
    %dma_wait3A_50 = tpu.memref_slice %arg3[%add3A_4] : memref<8192xi32, #tpu.memory_space<hbm>> -> memref<160xi32, #tpu.memory_space<hbm>>
    %dma_wait3A_51 = arith.constant 96 : i32
    %dma_wait3A_52 = tpu.memref_slice %arg5[%dma_wait3A_51] : memref<256xi32, #tpu.memory_space<vmem>> -> memref<160xi32, #tpu.memory_space<vmem>>
    %dma_wait3A_53 = tpu.memref_slice %arg3[%add3A_4] : memref<8192xi32, #tpu.memory_space<hbm>> -> memref<160xi32, #tpu.memory_space<hbm>>
    tpu.wait_dma2 semaphore(%arg9 : memref<!tpu.dma_semaphore, #tpu.memory_space<semaphore_mem>>) src(%dma_wait3A_53 : memref<160xi32, #tpu.memory_space<hbm>>) dst(%dma_wait3A_52 : memref<160xi32, #tpu.memory_space<vmem>>)
    %scan3A = arith.constant 0 : i32
    %scan3A_54 = arith.constant 0 : i32
    %scan3A_55 = arith.constant 8 : i32
    %scan3A_56 = arith.addi %scan3A_54, %scan3A_55 : i32
    %scan3A_57 = arith.constant 1 : i32
    scf.for %scan3A_131 = %scan3A_54 to %scan3A_56 step %scan3A_57  : i32 {
      %rem3A = arith.constant 4 : i32
      %rem3A_132 = arith.remsi %scan3A_131, %rem3A : i32
      %mul3A_133 = arith.constant 32 : i32
      %mul3A_134 = arith.muli %scan3A_131, %mul3A_133 : i32
      %dma_wait3A_135 = arith.constant 0 : i32
      %dma_wait3A_136 = arith.constant 0 : i32
      %dma_wait3A_137 = tpu.memref_slice %arg6[%rem3A_132, %dma_wait3A_135, %dma_wait3A_136] : memref<4x32x768xf32, #tpu.memory_space<vmem>> -> memref<1x32x768xf32, #tpu.memory_space<vmem>>
      %dma_wait3A_138 = tpu.memref_squeeze %dma_wait3A_137 : memref<1x32x768xf32, #tpu.memory_space<vmem>> -> memref<32x768xf32, #tpu.memory_space<vmem>>
      %dma_wait3A_139 = tpu.memref_slice %arg5[%mul3A_134] : memref<256xi32, #tpu.memory_space<vmem>> -> memref<32xi32, #tpu.memory_space<vmem>>
      %dma_wait3A_140 = arith.constant 0 : i32
      %dma_wait3A_141 = arith.constant 0 : i32
      %dma_wait3A_142 = tpu.memref_slice %arg2[%dma_wait3A_140, %dma_wait3A_141] : memref<50257x768xf32, #tpu.memory_space<hbm>> -> memref<50257x768xf32, #tpu.memory_space<hbm>>
      %dma_wait3A_143 = tpu.memref_slice %arg7[%rem3A_132] : memref<4x!tpu.dma_semaphore, #tpu.memory_space<semaphore_mem>> -> memref<1x!tpu.dma_semaphore, #tpu.memory_space<semaphore_mem>>
      %dma_wait3A_144 = tpu.memref_squeeze %dma_wait3A_143 : memref<1x!tpu.dma_semaphore, #tpu.memory_space<semaphore_mem>> -> memref<!tpu.dma_semaphore, #tpu.memory_space<semaphore_mem>>
      tpu.wait_indirect_dma semaphore(%dma_wait3A_144 : memref<!tpu.dma_semaphore, #tpu.memory_space<semaphore_mem>>) src(%dma_wait3A_142 : memref<50257x768xf32, #tpu.memory_space<hbm>>) dst(%dma_wait3A_138 : memref<32x768xf32, #tpu.memory_space<vmem>>)
      %mul3A_145 = arith.constant 32 : i32
      %mul3A_146 = arith.muli %scan3A_131, %mul3A_145 : i32
      %add3A_147 = arith.addi %mul3A_2, %mul3A_146 : i32
      %dma_start3A_148 = arith.constant 0 : i32
      %dma_start3A_149 = arith.constant 0 : i32
      %dma_start3A_150 = tpu.memref_slice %arg6[%rem3A_132, %dma_start3A_148, %dma_start3A_149] : memref<4x32x768xf32, #tpu.memory_space<vmem>> -> memref<1x32x768xf32, #tpu.memory_space<vmem>>
      %dma_start3A_151 = tpu.memref_squeeze %dma_start3A_150 : memref<1x32x768xf32, #tpu.memory_space<vmem>> -> memref<32x768xf32, #tpu.memory_space<vmem>>
      %dma_start3A_152 = arith.constant 0 : i32
      %dma_start3A_153 = tpu.memref_slice %arg4[%add3A_147, %dma_start3A_152] : memref<8192x768xf32, #tpu.memory_space<hbm>> -> memref<32x768xf32, #tpu.memory_space<hbm>>
      %dma_start3A_154 = tpu.memref_slice %arg8[%rem3A_132] : memref<4x!tpu.dma_semaphore, #tpu.memory_space<semaphore_mem>> -> memref<1x!tpu.dma_semaphore, #tpu.memory_space<semaphore_mem>>
      %dma_start3A_155 = tpu.memref_squeeze %dma_start3A_154 : memref<1x!tpu.dma_semaphore, #tpu.memory_space<semaphore_mem>> -> memref<!tpu.dma_semaphore, #tpu.memory_space<semaphore_mem>>
      %dma_start3A_156 = arith.constant 0 : i32
      %dma_start3A_157 = tpu.memref_slice %arg4[%add3A_147, %dma_start3A_156] : memref<8192x768xf32, #tpu.memory_space<hbm>> -> memref<32x768xf32, #tpu.memory_space<hbm>>
      %dma_start3A_158 = arith.constant 0 : i32
      %dma_start3A_159 = arith.constant 0 : i32
      %dma_start3A_160 = tpu.memref_slice %arg6[%rem3A_132, %dma_start3A_158, %dma_start3A_159] : memref<4x32x768xf32, #tpu.memory_space<vmem>> -> memref<1x32x768xf32, #tpu.memory_space<vmem>>
      %dma_start3A_161 = tpu.memref_squeeze %dma_start3A_160 : memref<1x32x768xf32, #tpu.memory_space<vmem>> -> memref<32x768xf32, #tpu.memory_space<vmem>>
      tpu.enqueue_dma source(%dma_start3A_161 : memref<32x768xf32, #tpu.memory_space<vmem>>) target(%dma_start3A_157 : memref<32x768xf32, #tpu.memory_space<hbm>>) target_semaphore(%dma_start3A_155 : memref<!tpu.dma_semaphore, #tpu.memory_space<semaphore_mem>>)
      %add3A_162 = arith.constant 3 : i32
      %add3A_163 = arith.addi %scan3A_131, %add3A_162 : i32
      %lt3A = arith.constant 8 : i32
      %lt3A_164 = arith.cmpi slt, %add3A_163, %lt3A : i32
      %convert_element_type3A = arith.extui %lt3A_164 : i1 to i32
      %cond3A = arith.constant 0 : i32
      %cond3A_165 = arith.cmpi ne, %convert_element_type3A, %cond3A : i32
      scf.if %cond3A_165 {
        %ge3A = arith.constant 1 : i32
        %ge3A_166 = arith.cmpi sge, %scan3A_131, %ge3A : i32
        %convert_element_type3A_167 = arith.extui %ge3A_166 : i1 to i32
        %cond3A_168 = arith.constant 0 : i32
        %cond3A_169 = arith.cmpi ne, %convert_element_type3A_167, %cond3A_168 : i32
        scf.if %cond3A_169 {
          %sub3A = arith.constant 1 : i32
          %sub3A_184 = arith.subi %scan3A_131, %sub3A : i32
          %sub3A_185 = arith.constant 1 : i32
          %sub3A_186 = arith.subi %scan3A_131, %sub3A_185 : i32
          %rem3A_187 = arith.constant 4 : i32
          %rem3A_188 = arith.remsi %sub3A_186, %rem3A_187 : i32
          %mul3A_189 = arith.constant 32 : i32
          %mul3A_190 = arith.muli %sub3A_184, %mul3A_189 : i32
          %add3A_191 = arith.addi %mul3A_2, %mul3A_190 : i32
          %dma_wait3A_192 = arith.constant 0 : i32
          %dma_wait3A_193 = arith.constant 0 : i32
          %dma_wait3A_194 = tpu.memref_slice %arg6[%rem3A_188, %dma_wait3A_192, %dma_wait3A_193] : memref<4x32x768xf32, #tpu.memory_space<vmem>> -> memref<1x32x768xf32, #tpu.memory_space<vmem>>
          %dma_wait3A_195 = tpu.memref_squeeze %dma_wait3A_194 : memref<1x32x768xf32, #tpu.memory_space<vmem>> -> memref<32x768xf32, #tpu.memory_space<vmem>>
          %dma_wait3A_196 = arith.constant 0 : i32
          %dma_wait3A_197 = tpu.memref_slice %arg4[%add3A_191, %dma_wait3A_196] : memref<8192x768xf32, #tpu.memory_space<hbm>> -> memref<32x768xf32, #tpu.memory_space<hbm>>
          %dma_wait3A_198 = tpu.memref_slice %arg8[%rem3A_188] : memref<4x!tpu.dma_semaphore, #tpu.memory_space<semaphore_mem>> -> memref<1x!tpu.dma_semaphore, #tpu.memory_space<semaphore_mem>>
          %dma_wait3A_199 = tpu.memref_squeeze %dma_wait3A_198 : memref<1x!tpu.dma_semaphore, #tpu.memory_space<semaphore_mem>> -> memref<!tpu.dma_semaphore, #tpu.memory_space<semaphore_mem>>
          %dma_wait3A_200 = arith.constant 0 : i32
          %dma_wait3A_201 = tpu.memref_slice %arg4[%add3A_191, %dma_wait3A_200] : memref<8192x768xf32, #tpu.memory_space<hbm>> -> memref<32x768xf32, #tpu.memory_space<hbm>>
          %dma_wait3A_202 = arith.constant 0 : i32
          %dma_wait3A_203 = arith.constant 0 : i32
          %dma_wait3A_204 = tpu.memref_slice %arg6[%rem3A_188, %dma_wait3A_202, %dma_wait3A_203] : memref<4x32x768xf32, #tpu.memory_space<vmem>> -> memref<1x32x768xf32, #tpu.memory_space<vmem>>
          %dma_wait3A_205 = tpu.memref_squeeze %dma_wait3A_204 : memref<1x32x768xf32, #tpu.memory_space<vmem>> -> memref<32x768xf32, #tpu.memory_space<vmem>>
          tpu.wait_dma2 semaphore(%dma_wait3A_199 : memref<!tpu.dma_semaphore, #tpu.memory_space<semaphore_mem>>) src(%dma_wait3A_205 : memref<32x768xf32, #tpu.memory_space<vmem>>) dst(%dma_wait3A_201 : memref<32x768xf32, #tpu.memory_space<hbm>>)
        } else {
        }
        %rem3A_170 = arith.constant 4 : i32
        %rem3A_171 = arith.remsi %add3A_163, %rem3A_170 : i32
        %mul3A_172 = arith.constant 32 : i32
        %mul3A_173 = arith.muli %add3A_163, %mul3A_172 : i32
        %dma_start3A_174 = arith.constant 0 : i32
        %dma_start3A_175 = arith.constant 0 : i32
        %dma_start3A_176 = tpu.memref_slice %arg6[%rem3A_171, %dma_start3A_174, %dma_start3A_175] : memref<4x32x768xf32, #tpu.memory_space<vmem>> -> memref<1x32x768xf32, #tpu.memory_space<vmem>>
        %dma_start3A_177 = tpu.memref_squeeze %dma_start3A_176 : memref<1x32x768xf32, #tpu.memory_space<vmem>> -> memref<32x768xf32, #tpu.memory_space<vmem>>
        %dma_start3A_178 = tpu.memref_slice %arg5[%mul3A_173] : memref<256xi32, #tpu.memory_space<vmem>> -> memref<32xi32, #tpu.memory_space<vmem>>
        %dma_start3A_179 = arith.constant 0 : i32
        %dma_start3A_180 = arith.constant 0 : i32
        %dma_start3A_181 = tpu.memref_slice %arg2[%dma_start3A_179, %dma_start3A_180] : memref<50257x768xf32, #tpu.memory_space<hbm>> -> memref<50257x768xf32, #tpu.memory_space<hbm>>
        %dma_start3A_182 = tpu.memref_slice %arg7[%rem3A_171] : memref<4x!tpu.dma_semaphore, #tpu.memory_space<semaphore_mem>> -> memref<1x!tpu.dma_semaphore, #tpu.memory_space<semaphore_mem>>
        %dma_start3A_183 = tpu.memref_squeeze %dma_start3A_182 : memref<1x!tpu.dma_semaphore, #tpu.memory_space<semaphore_mem>> -> memref<!tpu.dma_semaphore, #tpu.memory_space<semaphore_mem>>
        tpu.enqueue_indirect_dma source(%dma_start3A_181 : memref<50257x768xf32, #tpu.memory_space<hbm>>) target(%dma_start3A_177 : memref<32x768xf32, #tpu.memory_space<vmem>>) offsets(%dma_start3A_178 : memref<32xi32, #tpu.memory_space<vmem>>) semaphore(%dma_start3A_183 : memref<!tpu.dma_semaphore, #tpu.memory_space<semaphore_mem>>)
      } else {
      }
    }
    %scan3A_58 = arith.constant 8 : i32
    %add3A_59 = arith.constant 128 : i32
    %add3A_60 = arith.addi %mul3A_2, %add3A_59 : i32
    %dma_wait3A_61 = arith.constant 0 : i32
    %dma_wait3A_62 = arith.constant 0 : i32
    %dma_wait3A_63 = arith.constant 0 : i32
    %dma_wait3A_64 = arith.constant 0 : i32
    %dma_wait3A_65 = tpu.memref_slice %arg6[%dma_wait3A_61, %dma_wait3A_63, %dma_wait3A_64] : memref<4x32x768xf32, #tpu.memory_space<vmem>> -> memref<1x32x768xf32, #tpu.memory_space<vmem>>
    %dma_wait3A_66 = tpu.memref_squeeze %dma_wait3A_65 : memref<1x32x768xf32, #tpu.memory_space<vmem>> -> memref<32x768xf32, #tpu.memory_space<vmem>>
    %dma_wait3A_67 = arith.constant 0 : i32
    %dma_wait3A_68 = tpu.memref_slice %arg4[%add3A_60, %dma_wait3A_67] : memref<8192x768xf32, #tpu.memory_space<hbm>> -> memref<32x768xf32, #tpu.memory_space<hbm>>
    %dma_wait3A_69 = tpu.memref_slice %arg8[%dma_wait3A_62] : memref<4x!tpu.dma_semaphore, #tpu.memory_space<semaphore_mem>> -> memref<1x!tpu.dma_semaphore, #tpu.memory_space<semaphore_mem>>
    %dma_wait3A_70 = tpu.memref_squeeze %dma_wait3A_69 : memref<1x!tpu.dma_semaphore, #tpu.memory_space<semaphore_mem>> -> memref<!tpu.dma_semaphore, #tpu.memory_space<semaphore_mem>>
    %dma_wait3A_71 = arith.constant 0 : i32
    %dma_wait3A_72 = tpu.memref_slice %arg4[%add3A_60, %dma_wait3A_71] : memref<8192x768xf32, #tpu.memory_space<hbm>> -> memref<32x768xf32, #tpu.memory_space<hbm>>
    %dma_wait3A_73 = arith.constant 0 : i32
    %dma_wait3A_74 = arith.constant 0 : i32
    %dma_wait3A_75 = tpu.memref_slice %arg6[%dma_wait3A_61, %dma_wait3A_73, %dma_wait3A_74] : memref<4x32x768xf32, #tpu.memory_space<vmem>> -> memref<1x32x768xf32, #tpu.memory_space<vmem>>
    %dma_wait3A_76 = tpu.memref_squeeze %dma_wait3A_75 : memref<1x32x768xf32, #tpu.memory_space<vmem>> -> memref<32x768xf32, #tpu.memory_space<vmem>>
    tpu.wait_dma2 semaphore(%dma_wait3A_70 : memref<!tpu.dma_semaphore, #tpu.memory_space<semaphore_mem>>) src(%dma_wait3A_76 : memref<32x768xf32, #tpu.memory_space<vmem>>) dst(%dma_wait3A_72 : memref<32x768xf32, #tpu.memory_space<hbm>>)
    %add3A_77 = arith.constant 160 : i32
    %add3A_78 = arith.addi %mul3A_2, %add3A_77 : i32
    %dma_wait3A_79 = arith.constant 1 : i32
    %dma_wait3A_80 = arith.constant 1 : i32
    %dma_wait3A_81 = arith.constant 0 : i32
    %dma_wait3A_82 = arith.constant 0 : i32
    %dma_wait3A_83 = tpu.memref_slice %arg6[%dma_wait3A_79, %dma_wait3A_81, %dma_wait3A_82] : memref<4x32x768xf32, #tpu.memory_space<vmem>> -> memref<1x32x768xf32, #tpu.memory_space<vmem>>
    %dma_wait3A_84 = tpu.memref_squeeze %dma_wait3A_83 : memref<1x32x768xf32, #tpu.memory_space<vmem>> -> memref<32x768xf32, #tpu.memory_space<vmem>>
    %dma_wait3A_85 = arith.constant 0 : i32
    %dma_wait3A_86 = tpu.memref_slice %arg4[%add3A_78, %dma_wait3A_85] : memref<8192x768xf32, #tpu.memory_space<hbm>> -> memref<32x768xf32, #tpu.memory_space<hbm>>
    %dma_wait3A_87 = tpu.memref_slice %arg8[%dma_wait3A_80] : memref<4x!tpu.dma_semaphore, #tpu.memory_space<semaphore_mem>> -> memref<1x!tpu.dma_semaphore, #tpu.memory_space<semaphore_mem>>
    %dma_wait3A_88 = tpu.memref_squeeze %dma_wait3A_87 : memref<1x!tpu.dma_semaphore, #tpu.memory_space<semaphore_mem>> -> memref<!tpu.dma_semaphore, #tpu.memory_space<semaphore_mem>>
    %dma_wait3A_89 = arith.constant 0 : i32
    %dma_wait3A_90 = tpu.memref_slice %arg4[%add3A_78, %dma_wait3A_89] : memref<8192x768xf32, #tpu.memory_space<hbm>> -> memref<32x768xf32, #tpu.memory_space<hbm>>
    %dma_wait3A_91 = arith.constant 0 : i32
    %dma_wait3A_92 = arith.constant 0 : i32
    %dma_wait3A_93 = tpu.memref_slice %arg6[%dma_wait3A_79, %dma_wait3A_91, %dma_wait3A_92] : memref<4x32x768xf32, #tpu.memory_space<vmem>> -> memref<1x32x768xf32, #tpu.memory_space<vmem>>
    %dma_wait3A_94 = tpu.memref_squeeze %dma_wait3A_93 : memref<1x32x768xf32, #tpu.memory_space<vmem>> -> memref<32x768xf32, #tpu.memory_space<vmem>>
    tpu.wait_dma2 semaphore(%dma_wait3A_88 : memref<!tpu.dma_semaphore, #tpu.memory_space<semaphore_mem>>) src(%dma_wait3A_94 : memref<32x768xf32, #tpu.memory_space<vmem>>) dst(%dma_wait3A_90 : memref<32x768xf32, #tpu.memory_space<hbm>>)
    %add3A_95 = arith.constant 192 : i32
    %add3A_96 = arith.addi %mul3A_2, %add3A_95 : i32
    %dma_wait3A_97 = arith.constant 2 : i32
    %dma_wait3A_98 = arith.constant 2 : i32
    %dma_wait3A_99 = arith.constant 0 : i32
    %dma_wait3A_100 = arith.constant 0 : i32
    %dma_wait3A_101 = tpu.memref_slice %arg6[%dma_wait3A_97, %dma_wait3A_99, %dma_wait3A_100] : memref<4x32x768xf32, #tpu.memory_space<vmem>> -> memref<1x32x768xf32, #tpu.memory_space<vmem>>
    %dma_wait3A_102 = tpu.memref_squeeze %dma_wait3A_101 : memref<1x32x768xf32, #tpu.memory_space<vmem>> -> memref<32x768xf32, #tpu.memory_space<vmem>>
    %dma_wait3A_103 = arith.constant 0 : i32
    %dma_wait3A_104 = tpu.memref_slice %arg4[%add3A_96, %dma_wait3A_103] : memref<8192x768xf32, #tpu.memory_space<hbm>> -> memref<32x768xf32, #tpu.memory_space<hbm>>
    %dma_wait3A_105 = tpu.memref_slice %arg8[%dma_wait3A_98] : memref<4x!tpu.dma_semaphore, #tpu.memory_space<semaphore_mem>> -> memref<1x!tpu.dma_semaphore, #tpu.memory_space<semaphore_mem>>
    %dma_wait3A_106 = tpu.memref_squeeze %dma_wait3A_105 : memref<1x!tpu.dma_semaphore, #tpu.memory_space<semaphore_mem>> -> memref<!tpu.dma_semaphore, #tpu.memory_space<semaphore_mem>>
    %dma_wait3A_107 = arith.constant 0 : i32
    %dma_wait3A_108 = tpu.memref_slice %arg4[%add3A_96, %dma_wait3A_107] : memref<8192x768xf32, #tpu.memory_space<hbm>> -> memref<32x768xf32, #tpu.memory_space<hbm>>
    %dma_wait3A_109 = arith.constant 0 : i32
    %dma_wait3A_110 = arith.constant 0 : i32
    %dma_wait3A_111 = tpu.memref_slice %arg6[%dma_wait3A_97, %dma_wait3A_109, %dma_wait3A_110] : memref<4x32x768xf32, #tpu.memory_space<vmem>> -> memref<1x32x768xf32, #tpu.memory_space<vmem>>
    %dma_wait3A_112 = tpu.memref_squeeze %dma_wait3A_111 : memref<1x32x768xf32, #tpu.memory_space<vmem>> -> memref<32x768xf32, #tpu.memory_space<vmem>>
    tpu.wait_dma2 semaphore(%dma_wait3A_106 : memref<!tpu.dma_semaphore, #tpu.memory_space<semaphore_mem>>) src(%dma_wait3A_112 : memref<32x768xf32, #tpu.memory_space<vmem>>) dst(%dma_wait3A_108 : memref<32x768xf32, #tpu.memory_space<hbm>>)
    %add3A_113 = arith.constant 224 : i32
    %add3A_114 = arith.addi %mul3A_2, %add3A_113 : i32
    %dma_wait3A_115 = arith.constant 3 : i32
    %dma_wait3A_116 = arith.constant 3 : i32
    %dma_wait3A_117 = arith.constant 0 : i32
    %dma_wait3A_118 = arith.constant 0 : i32
    %dma_wait3A_119 = tpu.memref_slice %arg6[%dma_wait3A_115, %dma_wait3A_117, %dma_wait3A_118] : memref<4x32x768xf32, #tpu.memory_space<vmem>> -> memref<1x32x768xf32, #tpu.memory_space<vmem>>
    %dma_wait3A_120 = tpu.memref_squeeze %dma_wait3A_119 : memref<1x32x768xf32, #tpu.memory_space<vmem>> -> memref<32x768xf32, #tpu.memory_space<vmem>>
    %dma_wait3A_121 = arith.constant 0 : i32
    %dma_wait3A_122 = tpu.memref_slice %arg4[%add3A_114, %dma_wait3A_121] : memref<8192x768xf32, #tpu.memory_space<hbm>> -> memref<32x768xf32, #tpu.memory_space<hbm>>
    %dma_wait3A_123 = tpu.memref_slice %arg8[%dma_wait3A_116] : memref<4x!tpu.dma_semaphore, #tpu.memory_space<semaphore_mem>> -> memref<1x!tpu.dma_semaphore, #tpu.memory_space<semaphore_mem>>
    %dma_wait3A_124 = tpu.memref_squeeze %dma_wait3A_123 : memref<1x!tpu.dma_semaphore, #tpu.memory_space<semaphore_mem>> -> memref<!tpu.dma_semaphore, #tpu.memory_space<semaphore_mem>>
    %dma_wait3A_125 = arith.constant 0 : i32
    %dma_wait3A_126 = tpu.memref_slice %arg4[%add3A_114, %dma_wait3A_125] : memref<8192x768xf32, #tpu.memory_space<hbm>> -> memref<32x768xf32, #tpu.memory_space<hbm>>
    %dma_wait3A_127 = arith.constant 0 : i32
    %dma_wait3A_128 = arith.constant 0 : i32
    %dma_wait3A_129 = tpu.memref_slice %arg6[%dma_wait3A_115, %dma_wait3A_127, %dma_wait3A_128] : memref<4x32x768xf32, #tpu.memory_space<vmem>> -> memref<1x32x768xf32, #tpu.memory_space<vmem>>
    %dma_wait3A_130 = tpu.memref_squeeze %dma_wait3A_129 : memref<1x32x768xf32, #tpu.memory_space<vmem>> -> memref<32x768xf32, #tpu.memory_space<vmem>>
    tpu.wait_dma2 semaphore(%dma_wait3A_124 : memref<!tpu.dma_semaphore, #tpu.memory_space<semaphore_mem>>) src(%dma_wait3A_130 : memref<32x768xf32, #tpu.memory_space<vmem>>) dst(%dma_wait3A_126 : memref<32x768xf32, #tpu.memory_space<hbm>>)
    return
  }
}

</mosaic_0001>

<sc_bundles>
// kernel: kernel.3.cloned.1.call-start
scs
__scs_entry_jumppad:
0x0: {  	(pc) =	sbr.rel $0x88, $3  }
0x1: {  	(tag) =	ssettag $0x0;
	lr =	simm.s32 $0x1  }
0x2: {  	[smem:$0x3F9F] =	sst lr;
	_ =	strace $0xD0000000  }
0x3: {  	_ = 	snop  }
0x4: {  	_ = 	snop  }
0x5: {  	_ = 	snop  }
0x6: {  	_ = 	snop  }
0x7: {  	_ = 	snop  }
__scs_overlays_trampoline_lowered:
0x8: {  	[smem:$0x3FAE] =	sst s0  }
0x9: {  	[smem:$0x3FAF] =	sst s1  }
0xa: {  	[smem:$0x3FB0] =	sst s2  }
0xb: {  	[smem:$0x3FB1] =	sst s3  }
0xc: {  	[smem:$0x3FB2] =	sst s4  }
0xd: {  	[smem:$0x3FB3] =	sst s5  }
0xe: {  	[smem:$0x3FB4] =	sst s6  }
0xf: {  	[smem:$0x3FB5] =	sst s7  }
0x10: {  	[smem:$0x3FB6] =	sst s8  }
0x11: {  	[smem:$0x3FB7] =	sst s9;
	s0 =	simm.s32 @!p0 $0x0  }
0x12: {  	s1 =	sld [smem:$0x3F9D];
	s0 =	simm.s32 @p0 $0x1  }
0x13: {  	[smem:$0x3FB8] =	sst s0;
	s0 =	simm.s32 @!p1 $0x0  }
0x14: {  	s2 =	sld [smem:$0x3F9C];
	s0 =	simm.s32 @p1 $0x1  }
0x15: {  	[smem:$0x3FB9] =	sst s0;
	s0 =	simm.s32 @!p2 $0x0  }
0x16: {  	s3 =	sld [smem:$0x3FDB];
	s0 =	simm.s32 @p2 $0x1  }
0x17: {  	s4 =	simm.s32 $0x1BF5;
	[smem:$0x3FBB] =	sst s0  }
0x18: {  	s0 =	sld [smem:$0x3F9E];
	_ =	swait.ge [sflag:s4], $0x0  }
0x19: {  	s7 =	sld [smem:$0x3F9F]  }
0x1a: {  	s8 =	sadd.s32 $0xFFFFE003, lr  }
0x1b: {  	s9 =	sadd.s32 $0xFFFFFEF7, lr;
	s5 =	simm.s32 $0xFFFFFFFF;
	p2 =	slt.u32 s8, $0xFFFFF086  }
0x1c: {  	p1 =	slt.u32 s9, $0xF7A;
	s5 =	simm.s32 @!p2 $0x0  }
0x1d: {  	s5 =	simm.s32 @p1 $0x1;
	p0 =	seq.s32 s7, s2  }
0x1e: {  	s7 =	smul.u32 @!p0 $0xF7A, s2;
	p2 =	seq.s32 @!p0 s5, $0x0  }
0x1f: {  	s9 =	smul.u32 $0xF7A, s1;
	s8 =	simm.s32 @!p0 $0x1BF5;
	p2 =	por !p2, p0  }
0x20: {  	[sflag:s8] =	ssyncset.s32 @!p0 $0xFFFFF086;
	s6 =	sadd.s32 @!p0 s3, s7;
	s7 =	simm.s32 @!p0 $0x108  }
0x21: {  	s3 =	sadd.s32 s3, s9;
	s6 =	sadd.s32 @!p0 $0x88, s6;
	s7 =	simm.s32 @p2 $0x1082  }
0x22: {  	[simem:s7], [sflag:s8] =	dma.local @!p0 [hbm:s6], $0xF7A  }
0x23: {  	s9 =	sor.u32 $0xD0000000, s2;
	s6 =	simm.s32 $0x108;
	_ =	swait.ge @!p0 [sflag:s8], $0x0  }
0x24: {  	s3 =	sadd.s32 $0x88, s3;
	s6 =	simm.s32 @!p1 $0x1082;
	[sflag:s4] =	ssyncset.s32 $0xFFFFF086  }
0x25: {  	[simem:s6], [sflag:s4] =	dma.local [hbm:s3], $0xF7A  }
0x26: {  	[smem:$0x3F9F] =	sst s1;
	(tag) =	ssettag s2;
	_ =	strace s9  }
0x27: {  	s1 =	sld [smem:$0x3FAF]  }
0x28: {  	s2 =	sld [smem:$0x3FB0]  }
0x29: {  	s4 =	sld [smem:$0x3FB2]  }
0x2a: {  	p0 =	seq.s32 s5, $0x0;
	s5 =	sld [smem:$0x3FB3]  }
0x2b: {  	s6 =	sld [smem:$0x3FB4]  }
0x2c: {  	s7 =	sld [smem:$0x3FB5]  }
0x2d: {  	s3 =	simm.s32 $0x108;
	s8 =	sld [smem:$0x3FB6]  }
0x2e: {  	s3 =	simm.s32 @!p0 $0x1082;
	s9 =	sld [smem:$0x3FB7]  }
0x2f: {  	lr =	sadd.s32 s0, s3;
	s0 =	sld [smem:$0x3FAE]  }
0x30: {  	s3 =	sld [smem:$0x3FB1]  }
0x31: {  	[smem:$0x3FBA] =	sst s10  }
0x32: {  	s10 =	sld [smem:$0x3FB8];
	_ =	sdelay $0x3  }
0x33: {  	p0 =	seq.s32 s10, $0x1;
	s10 =	sld [smem:$0x3FBA];
	_ =	sdelay $0x3  }
0x34: {  	[smem:$0x3FBA] =	sst s10  }
0x35: {  	s10 =	sld [smem:$0x3FB9];
	_ =	sdelay $0x3  }
0x36: {  	p1 =	seq.s32 s10, $0x1;
	s10 =	sld [smem:$0x3FBA];
	_ =	sdelay $0x3  }
0x37: {  	[smem:$0x3FBA] =	sst s10  }
0x38: {  	s10 =	sld [smem:$0x3FBB]  }
0x39: {  	_ = 	snop;
	(pc) =	sbr.ind lr, $3  }
0x3a: {  	_ = 	snop  }
0x3b: {  	_ = 	snop  }
0x3c: {  	p2 =	seq.s32 s10, $0x1;
	s10 =	sld [smem:$0x3FBA]  }
0x3d: {  	_ =	shalt  }
0x3e: {  	_ =	shalt  }
0x3f: {  	_ =	shalt  }
0x40: {  	_ =	shalt  }
0x41: {  	_ =	shalt  }
0x42: {  	_ =	shalt  }
0x43: {  	_ =	shalt  }
0x44: {  	_ =	shalt  }
0x45: {  	_ =	shalt  }
0x46: {  	_ =	shalt  }
0x47: {  	_ =	shalt  }
0x48: {  	_ =	shalt  }
0x49: {  	_ =	shalt  }
0x4a: {  	_ =	shalt  }
0x4b: {  	_ =	shalt  }
0x4c: {  	_ =	shalt  }
0x4d: {  	_ =	shalt  }
0x4e: {  	_ =	shalt  }
0x4f: {  	_ =	shalt  }
0x50: {  	_ =	shalt  }
0x51: {  	_ =	shalt  }
0x52: {  	_ =	shalt  }
0x53: {  	_ =	shalt  }
0x54: {  	_ =	shalt  }
0x55: {  	_ =	shalt  }
0x56: {  	_ =	shalt  }
0x57: {  	_ =	shalt  }
0x58: {  	_ =	shalt  }
0x59: {  	_ =	shalt  }
0x5a: {  	_ =	shalt  }
0x5b: {  	_ =	shalt  }
0x5c: {  	_ =	shalt  }
0x5d: {  	_ =	shalt  }
0x5e: {  	_ =	shalt  }
0x5f: {  	_ =	shalt  }
0x60: {  	_ =	shalt  }
0x61: {  	_ =	shalt  }
0x62: {  	_ =	shalt  }
0x63: {  	_ =	shalt  }
0x64: {  	_ =	shalt  }
0x65: {  	_ =	shalt  }
0x66: {  	_ =	shalt  }
0x67: {  	_ =	shalt  }
0x68: {  	_ =	shalt  }
0x69: {  	_ =	shalt  }
0x6a: {  	_ =	shalt  }
0x6b: {  	_ =	shalt  }
0x6c: {  	_ =	shalt  }
0x6d: {  	_ =	shalt  }
0x6e: {  	_ =	shalt  }
0x6f: {  	_ =	shalt  }
0x70: {  	_ =	shalt  }
0x71: {  	_ =	shalt  }
0x72: {  	_ =	shalt  }
0x73: {  	_ =	shalt  }
0x74: {  	_ =	shalt  }
0x75: {  	_ =	shalt  }
0x76: {  	_ =	shalt  }
0x77: {  	_ =	shalt  }
0x78: {  	_ =	shalt  }
0x79: {  	_ =	shalt  }
0x7a: {  	_ =	shalt  }
0x7b: {  	_ =	shalt  }
0x7c: {  	_ =	shalt  }
0x7d: {  	_ =	shalt  }
0x7e: {  	_ =	shalt  }
0x7f: {  	_ =	shalt  }
0x80: {  	_ =	shalt  }
0x81: {  	_ =	shalt  }
0x82: {  	_ =	shalt  }
0x83: {  	_ =	shalt  }
0x84: {  	_ =	shalt  }
0x85: {  	_ =	shalt  }
0x86: {  	_ =	shalt  }
0x87: {  	_ =	shalt  }
.Lfunc_end0:
.L_simem_size_0:
called_computation_lowered:
.L_overlay_start_0:
0x88: {  	s2 =	sld [smem:$0x3FD9]  }
0x89: {  	s3 =	sld [smem:$0x3FFE];
	_ =	sdelay $0x1  }
0x8a: {  	s1 =	srdreg.scid  }
0x8b: {  	s0 =	sand.u32 $0x1, s1  }
0x8c: {  	s17 =	sshll.u32 s0, $0xA;
	s2 =	sadd.s32 s3, s2  }
0x8d: {  	s2 =	sadd.s32 s2, s17  }
0x8e: {  	[smem:$0x3FC6] =	sst s2  }
0x8f: {  	_ = 	snop  }
0x90: {  	s2 =	sld [smem:$0x3FC8]  }
0x91: {  	s18 =	sld [smem:$0x3FD0];
	(tm) =	ssettm $0x1  }
0x92: {  	s4 =	sld [smem:$0x3FFB];
	_ =	sdelay $0x3  }
0x93: {  	_ =	strace s4  }
0x94: {  	s4 =	sld [smem:$0x3FFC];
	_ =	sdelay $0x3  }
0x95: {  	_ =	strace s4  }
0x96: {  	s4 =	sld [smem:$0x3FFD];
	_ =	sdelay $0x3  }
0x97: {  	_ =	strace s4  }
0x98: {  	_ =	strace $0x8FFFFFFF  }
0x99: {  	s19 =	sld [smem:$0x3FDB];
	_ =	sdelay $0x1  }
0x9a: {  	s5 =	simm.s32 $_scs_section_size  }
0x9b: {  	s6 =	simm.s32 $_size__tile_overlayer_lowered;
	s7 =	simm.s32 $_tile_overlayer_lowered  }
0x9c: {  	s22 =	simm.s32 $0x1BFF;
	s21 =	sshll.u32 s7, $0x1;
	s4 =	sadd.s32 s5, s19  }
0x9d: {  	s8 =	simm.s32 $0x0;
	s20 =	sshll.u32 s6, $0x1;
	s6 =	sadd.s32 s21, s4  }
0x9e: {  	[timem:s8], [sflag:s22] =	dma.local [hbm:s6], s20  }
0x9f: {  	_ =	swait.ge [sflag:s22], s20  }
0xa0: {  	s5 =	ssub.s32 $0x0, s20;
	[sflag:s22] =	ssyncset.done $0x0  }
0xa1: {  	[sflag:s22] =	ssyncadd.s32 s5;
	_ =	sdelay $0x1  }
0xa2: {  	s23 =	simm.s32 $0x1B8B  }
0xa3: {  	_ =	swait.ge [sflag:s23], $0x1  }
0xa4: {  	[sflag:s23] =	ssyncset.done $0x0  }
0xa5: {  	s25 =	simm.s32 $0x1B8E;
	s24 =	sld [smem:$0x3FFE];
	[sflag:s23] =	ssyncadd.s32 $0xFFFFFFFF  }
0xa6: {  	s26 =	simm.s32 $execute0_lowered;
	[smem:$0x3FD2] =	sst s25  }
0xa7: {  	s6 =	sshll.u32 s26, $0x1;
	_ =	strace $0x80000046;
	[dreg:$0x1] =	wrdreg $0xFFFFFFFF  }
0xa8: {  	s28 =	simm.s32 $_size_execute0_lowered;
	s4 =	sadd.s32 s4, s6;
	[dreg:$0x0] =	wrdreg $0x0  }
0xa9: {  	s6 =	sshll.u32 s28, $0x1;
	[dreg:$0x2] =	wrdreg s4  }
0xaa: {  	[dreg:$0x3] =	wrdreg s6  }
0xab: {  	[dreg:$0x4] =	wrdreg $0xC0  }
0xac: {  	_ =	task [dreg:s8], $0x5FFFF  }
0xad: {  	[dreg:$0x1] =	wrdreg $0xFFFFFFFF  }
0xae: {  	[dreg:$0x0] =	wrdreg $0x60  }
0xaf: {  	[dreg:$0x2] =	wrdreg s2  }
0xb0: {  	[dreg:$0x3] =	wrdreg s24  }
0xb1: {  	[dreg:$0x4] =	wrdreg s18  }
0xb2: {  	[dreg:$0x5] =	wrdreg $0x9  }
0xb3: {  	_ =	task.clear_ibuf [dreg:s8], $0x6FFFF;
	_ =	strace $0x90000046  }
0xb4: {  	s29 =	simm.s32 $0x9;
	_ =	strace $0x80000048  }
0xb5: {  	_ =	swait.ge [sflag:s29], $0x1  }
0xb6: {  	[sflag:s29] =	ssyncadd.s32 $0xFFFFFFFF  }
0xb7: {  	_ =	strace $0x90000048  }
0xb8: {  	_ =	sfence  }
0xb9: {  	s30 =	sld [smem:$0x0];
	_ =	sdelay $0x2  }
0xba: {  	s31 =	sshll.u32 s1, $0xD;
	s1 =	sshrl.u32 s1, $0x2  }
0xbb: {  	s3 =	sand.u32 $0x4000, s31;
	s1 =	sadd.s32 s1, s30  }
0xbc: {  	s0 =	sor.u32 s3, s0;
	s1 =	sshll.u32 s1, $0x11  }
0xbd: {  	s0 =	sor.u32 s1, s0  }
0xbe: {  	s0 =	sadd.s32 $0x8F2B, s0  }
0xbf: {  	[sflag:s0] =	ssyncadd.remote.s32 $0x1  }
0xc0: {  	_ =	sfence.sel $0xFFFF  }
0xc1: {  	[dreg:$0x0] =	wrdreg $0xFFFFFFFF;
	(pc) =	sbr.abs _section_cstart, $3  }
0xc2: {  	[dreg:$0x1] =	wrdreg $0xFFFFFFFF  }
0xc3: {  	_ =	task.clear_ibuf [dreg:s8], $0x2FFFF;
	_ =	strace $0x9FFFFFFF  }
0xc4: {  	(tm) =	ssettm $0x7FFFFFFF  }
0xc5: {  	_ =	shalt  }
tec
execute0_lowered:
.L_overlay_start_1:
0x0: {  	(tag) =	ssettag $0x1  }
0x1: {  	s1 =	rddreg [dreg:$0x0]  }
0x2: {  	s0 =	rddreg [dreg:$0x1]  }
0x3: {  	s2 =	rddreg [dreg:$0x2];
	s3 =	srdreg.scid  }
0x4: {  	s5 =	stileid.u32;
	s11 =	simm.s32 $0xA;
	s30 =	simm.s32 $0x9  }
0x5: {  	s31 =	simm.s32 $0x1;
	s23 =	simm.s32 $0x5;
	s24 =	simm.s32 $0x6  }
0x6: {  	s28 =	simm.s32 $0x0;
	s4 =	sand.u32 $0x1, s3;
	s3 =	simm.s32 $0x0  }
0x7: {  	s5 =	sshll.u32 s5, $0x9;
	s6 =	sshll.u32 s4, $0x8;
	[smem:$0x7FF] =	sst s3  }
0x8: {  	s4 =	ssub.s32 $0x2, s4;
	s5 =	sor.u32 s6, s5;
	_ =	strace $0x80000047  }
0x9: {  	s7 =	sshrl.u32 s4, $0x1;
	s6 =	sshrl.u32 s5, $0x3;
	s5 =	sor.u32 $0x20, s5  }
0xa: {  	s8 =	ssub.s32 s4, s7;
	s7 =	sadd.s32 $0x200, s1;
	s0 =	sadd.s32 s6, s0  }
0xb: {  	s9 =	smul.u32 $0x300, s6;
	s5 =	sshrl.u32 s5, $0x3;
	s26 =	smax.u32 s8, $0x1  }
0xc: {  	s6 =	sadd.s32 $0x100, s1;
	s25 =	sadd.s32 $0x400, s0;
	[dreg:$0x6] =	wrdreg s26  }
0xd: {  	v2 =	vlaneseq.u32;
	s10 =	smul.u32 $0x300, s5;
	s0 =	sadd.s32 $0x40C, s0;
	[dreg:$0x4] =	wrdreg s25  }
0xe: {  	vm0 =	vmmov $0xffff;
	v1 =	vshrl.u32 v2, $0x3;
	s26 =	simm.s32 $0x8;
	[dreg:$0x5] =	wrdreg s0;
	s29 =	sadd.s32 s2, s9  }
0xf: {  	v0 =	vand.u32 $0x7, v2;
	v2 =	vor.u32 $0x8, v2;
	v1 =	vmul.u32 $0x8, v1;
	s25 =	simm.s32 $0x7;
	[dreg:$0x7] =	wrdreg s29;
	s10 =	sadd.s32 s10, s2  }
.LBB2_1:
0x10: {  	s0 =	rddreg [dreg:$0x4]  }
0x11: {  	[tilespmem:s3], [sflag:$0xA] =	stream.linear.gather [hbm4b:s0+s3], $0x60, $0x38;
	[tilespmem:$0x18100] =	vst v63  }
0x12: {  	_ =	swait.ge [sflag:s11], $0x60  }
0x13: {  	[sflag:s11] =	ssyncset.done $0x0  }
0x14: {  	s2 =	simm.s32 $0x60;
	s17 =	rddreg [dreg:$0x5];
	[sflag:s11] =	ssyncadd.s32 $0xFFFFFFA0  }
0x15: {  	[tilespmem:s2], [sflag:$0x9] =	stream.linear.gather [hbm4b:s17+s3], $0xA0, $0x38;
	[tilespmem:$0x18100] =	vst v63  }
0x16: {  	v3 =	vld [tilespmem:$0x0];
	_ =	sdelay $0x4  }
0x17: {  	v4 =	vshrl.u32 v3, $0x3  }
0x18: {  	v4 =	vmul.u32 $0x30, v4  }
0x19: {  	v3 =	vand.u32 $0x7, v3  }
0x1a: {  	v3 =	vor.u32 v3, v4  }
0x1b: {  	v4 =	vperm.xlane v3, v0;
	_ =	sdelay $0x1  }
0x1c: {  	v4 =	vadd.s32 v1, v4;
	_ =	sdelay $0x3  }
0x1d: {  	s2 =	simm.s32 $0x100;
	v3 =	vperm.xlane v3, v2  }
0x1e: {  	[tilespmem:s2], [sflag:$0x1] =	stream.indirect_vreg.gather [hbm4b:s1+s3], $0x80, v4, vm0, $0xb8;
	[tilespmem:$0x18100] =	vst v63  }
0x1f: {  	s18 =	simm.s32 $0x900;
	v3 =	vadd.s32 v1, v3  }
0x20: {  	[tilespmem:s18], [sflag:$0x1] =	stream.indirect_vreg.gather [hbm4b:s6+s3], $0x80, v4, vm0, $0xb8;
	[tilespmem:$0x18100] =	vst v63  }
0x21: {  	s19 =	simm.s32 $0x1100  }
0x22: {  	[tilespmem:s19], [sflag:$0x1] =	stream.indirect_vreg.gather [hbm4b:s7+s3], $0x80, v4, vm0, $0xb8;
	[tilespmem:$0x18100] =	vst v63  }
0x23: {  	s20 =	simm.s32 $0x1900  }
0x24: {  	[tilespmem:s20], [sflag:$0x1] =	stream.indirect_vreg.gather [hbm4b:s1+s3], $0x80, v3, vm0, $0xb8;
	[tilespmem:$0x18100] =	vst v63  }
0x25: {  	s21 =	simm.s32 $0x2100  }
0x26: {  	[tilespmem:s21], [sflag:$0x1] =	stream.indirect_vreg.gather [hbm4b:s6+s3], $0x80, v3, vm0, $0xb8;
	[tilespmem:$0x18100] =	vst v63  }
0x27: {  	s22 =	simm.s32 $0x2900  }
0x28: {  	[tilespmem:s22], [sflag:$0x1] =	stream.indirect_vreg.gather [hbm4b:s7+s3], $0x80, v3, vm0, $0xb8;
	[tilespmem:$0x18100] =	vst v63  }
0x29: {  	v3 =	vld [tilespmem:$0x10];
	_ =	sdelay $0x4  }
0x2a: {  	v4 =	vshrl.u32 v3, $0x3  }
0x2b: {  	v4 =	vmul.u32 $0x30, v4  }
0x2c: {  	v3 =	vand.u32 $0x7, v3  }
0x2d: {  	v3 =	vor.u32 v3, v4  }
0x2e: {  	v4 =	vperm.xlane v3, v0;
	_ =	sdelay $0x1  }
0x2f: {  	v4 =	vadd.s32 v1, v4;
	_ =	sdelay $0x3  }
0x30: {  	s4 =	simm.s32 $0x3100;
	v3 =	vperm.xlane v3, v2  }
0x31: {  	[tilespmem:s4], [sflag:$0x1] =	stream.indirect_vreg.gather [hbm4b:s1+s3], $0x80, v4, vm0, $0xb8;
	[tilespmem:$0x18100] =	vst v63  }
0x32: {  	s5 =	simm.s32 $0x3900;
	v3 =	vadd.s32 v1, v3  }
0x33: {  	[tilespmem:s5], [sflag:$0x1] =	stream.indirect_vreg.gather [hbm4b:s6+s3], $0x80, v4, vm0, $0xb8;
	[tilespmem:$0x18100] =	vst v63  }
0x34: {  	s8 =	simm.s32 $0x4100  }
0x35: {  	[tilespmem:s8], [sflag:$0x1] =	stream.indirect_vreg.gather [hbm4b:s7+s3], $0x80, v4, vm0, $0xb8;
	[tilespmem:$0x18100] =	vst v63  }
0x36: {  	s9 =	simm.s32 $0x4900  }
0x37: {  	[tilespmem:s9], [sflag:$0x1] =	stream.indirect_vreg.gather [hbm4b:s1+s3], $0x80, v3, vm0, $0xb8;
	[tilespmem:$0x18100] =	vst v63  }
0x38: {  	s12 =	simm.s32 $0x5100  }
0x39: {  	[tilespmem:s12], [sflag:$0x1] =	stream.indirect_vreg.gather [hbm4b:s6+s3], $0x80, v3, vm0, $0xb8;
	[tilespmem:$0x18100] =	vst v63  }
0x3a: {  	s13 =	simm.s32 $0x5900  }
0x3b: {  	[tilespmem:s13], [sflag:$0x1] =	stream.indirect_vreg.gather [hbm4b:s7+s3], $0x80, v3, vm0, $0xb8;
	[tilespmem:$0x18100] =	vst v63  }
0x3c: {  	v3 =	vld [tilespmem:$0x20];
	_ =	sdelay $0x4  }
0x3d: {  	v4 =	vshrl.u32 v3, $0x3  }
0x3e: {  	v4 =	vmul.u32 $0x30, v4  }
0x3f: {  	v3 =	vand.u32 $0x7, v3  }
0x40: {  	v3 =	vor.u32 v3, v4  }
0x41: {  	v4 =	vperm.xlane v3, v0;
	_ =	sdelay $0x1  }
0x42: {  	v4 =	vadd.s32 v1, v4;
	_ =	sdelay $0x3  }
0x43: {  	s14 =	simm.s32 $0x6100;
	v3 =	vperm.xlane v3, v2  }
0x44: {  	[tilespmem:s14], [sflag:$0x2] =	stream.indirect_vreg.gather [hbm4b:s1+s3], $0x80, v4, vm0, $0xb8;
	[tilespmem:$0x18100] =	vst v63  }
0x45: {  	s15 =	simm.s32 $0x6900;
	v3 =	vadd.s32 v1, v3  }
0x46: {  	[tilespmem:s15], [sflag:$0x2] =	stream.indirect_vreg.gather [hbm4b:s6+s3], $0x80, v4, vm0, $0xb8;
	[tilespmem:$0x18100] =	vst v63  }
0x47: {  	s16 =	simm.s32 $0x7100  }
0x48: {  	[tilespmem:s16], [sflag:$0x2] =	stream.indirect_vreg.gather [hbm4b:s7+s3], $0x80, v4, vm0, $0xb8;
	[tilespmem:$0x18100] =	vst v63  }
0x49: {  	s17 =	simm.s32 $0x7900  }
0x4a: {  	[tilespmem:s17], [sflag:$0x2] =	stream.indirect_vreg.gather [hbm4b:s1+s3], $0x80, v3, vm0, $0xb8;
	[tilespmem:$0x18100] =	vst v63  }
0x4b: {  	s18 =	simm.s32 $0x8100  }
0x4c: {  	[tilespmem:s18], [sflag:$0x2] =	stream.indirect_vreg.gather [hbm4b:s6+s3], $0x80, v3, vm0, $0xb8;
	[tilespmem:$0x18100] =	vst v63  }
0x4d: {  	s19 =	simm.s32 $0x8900  }
0x4e: {  	[tilespmem:s19], [sflag:$0x2] =	stream.indirect_vreg.gather [hbm4b:s7+s3], $0x80, v3, vm0, $0xb8;
	[tilespmem:$0x18100] =	vst v63  }
0x4f: {  	v3 =	vld [tilespmem:$0x30];
	_ =	sdelay $0x4  }
0x50: {  	v4 =	vshrl.u32 v3, $0x3  }
0x51: {  	v4 =	vmul.u32 $0x30, v4  }
0x52: {  	v3 =	vand.u32 $0x7, v3  }
0x53: {  	v3 =	vor.u32 v3, v4  }
0x54: {  	v4 =	vperm.xlane v3, v0;
	_ =	sdelay $0x1  }
0x55: {  	v4 =	vadd.s32 v1, v4;
	_ =	sdelay $0x3  }
0x56: {  	s20 =	simm.s32 $0x9100;
	v3 =	vperm.xlane v3, v2  }
0x57: {  	[tilespmem:s20], [sflag:$0x2] =	stream.indirect_vreg.gather [hbm4b:s1+s3], $0x80, v4, vm0, $0xb8;
	[tilespmem:$0x18100] =	vst v63  }
0x58: {  	s21 =	simm.s32 $0x9900;
	v3 =	vadd.s32 v1, v3  }
0x59: {  	[tilespmem:s21], [sflag:$0x2] =	stream.indirect_vreg.gather [hbm4b:s6+s3], $0x80, v4, vm0, $0xb8;
	[tilespmem:$0x18100] =	vst v63  }
0x5a: {  	s22 =	simm.s32 $0xA100  }
0x5b: {  	[tilespmem:s22], [sflag:$0x2] =	stream.indirect_vreg.gather [hbm4b:s7+s3], $0x80, v4, vm0, $0xb8;
	[tilespmem:$0x18100] =	vst v63  }
0x5c: {  	s4 =	simm.s32 $0xA900  }
0x5d: {  	[tilespmem:s4], [sflag:$0x2] =	stream.indirect_vreg.gather [hbm4b:s1+s3], $0x80, v3, vm0, $0xb8;
	[tilespmem:$0x18100] =	vst v63  }
0x5e: {  	s5 =	simm.s32 $0xB100  }
0x5f: {  	[tilespmem:s5], [sflag:$0x2] =	stream.indirect_vreg.gather [hbm4b:s6+s3], $0x80, v3, vm0, $0xb8;
	[tilespmem:$0x18100] =	vst v63  }
0x60: {  	s8 =	simm.s32 $0xB900  }
0x61: {  	[tilespmem:s8], [sflag:$0x2] =	stream.indirect_vreg.gather [hbm4b:s7+s3], $0x80, v3, vm0, $0xb8;
	[tilespmem:$0x18100] =	vst v63  }
0x62: {  	v3 =	vld [tilespmem:$0x40];
	_ =	sdelay $0x4  }
0x63: {  	v4 =	vshrl.u32 v3, $0x3  }
0x64: {  	v4 =	vmul.u32 $0x30, v4  }
0x65: {  	v3 =	vand.u32 $0x7, v3  }
0x66: {  	v3 =	vor.u32 v3, v4  }
0x67: {  	v4 =	vperm.xlane v3, v0;
	_ =	sdelay $0x1  }
0x68: {  	v4 =	vadd.s32 v1, v4;
	_ =	sdelay $0x3  }
0x69: {  	s9 =	simm.s32 $0xC100;
	v3 =	vperm.xlane v3, v2  }
0x6a: {  	[tilespmem:s9], [sflag:$0x3] =	stream.indirect_vreg.gather [hbm4b:s1+s3], $0x80, v4, vm0, $0xb8;
	[tilespmem:$0x18100] =	vst v63  }
0x6b: {  	s12 =	simm.s32 $0xC900;
	v3 =	vadd.s32 v1, v3  }
0x6c: {  	[tilespmem:s12], [sflag:$0x3] =	stream.indirect_vreg.gather [hbm4b:s6+s3], $0x80, v4, vm0, $0xb8;
	[tilespmem:$0x18100] =	vst v63  }
0x6d: {  	s13 =	simm.s32 $0xD100  }
0x6e: {  	[tilespmem:s13], [sflag:$0x3] =	stream.indirect_vreg.gather [hbm4b:s7+s3], $0x80, v4, vm0, $0xb8;
	[tilespmem:$0x18100] =	vst v63  }
0x6f: {  	s14 =	simm.s32 $0xD900  }
0x70: {  	[tilespmem:s14], [sflag:$0x3] =	stream.indirect_vreg.gather [hbm4b:s1+s3], $0x80, v3, vm0, $0xb8;
	[tilespmem:$0x18100] =	vst v63  }
0x71: {  	s15 =	simm.s32 $0xE100  }
0x72: {  	[tilespmem:s15], [sflag:$0x3] =	stream.indirect_vreg.gather [hbm4b:s6+s3], $0x80, v3, vm0, $0xb8;
	[tilespmem:$0x18100] =	vst v63  }
0x73: {  	s16 =	simm.s32 $0xE900  }
0x74: {  	[tilespmem:s16], [sflag:$0x3] =	stream.indirect_vreg.gather [hbm4b:s7+s3], $0x80, v3, vm0, $0xb8;
	[tilespmem:$0x18100] =	vst v63  }
0x75: {  	v3 =	vld [tilespmem:$0x50];
	_ =	sdelay $0x4  }
0x76: {  	v4 =	vshrl.u32 v3, $0x3  }
0x77: {  	v4 =	vmul.u32 $0x30, v4  }
0x78: {  	v3 =	vand.u32 $0x7, v3  }
0x79: {  	v3 =	vor.u32 v3, v4  }
0x7a: {  	v4 =	vperm.xlane v3, v0;
	_ =	sdelay $0x1  }
0x7b: {  	v4 =	vadd.s32 v1, v4;
	_ =	sdelay $0x3  }
0x7c: {  	s17 =	simm.s32 $0xF100;
	v3 =	vperm.xlane v3, v2  }
0x7d: {  	[tilespmem:s17], [sflag:$0x3] =	stream.indirect_vreg.gather [hbm4b:s1+s3], $0x80, v4, vm0, $0xb8;
	[tilespmem:$0x18100] =	vst v63  }
0x7e: {  	s18 =	simm.s32 $0xF900;
	v3 =	vadd.s32 v1, v3  }
0x7f: {  	[tilespmem:s18], [sflag:$0x3] =	stream.indirect_vreg.gather [hbm4b:s6+s3], $0x80, v4, vm0, $0xb8;
	[tilespmem:$0x18100] =	vst v63  }
0x80: {  	s19 =	simm.s32 $0x10100  }
0x81: {  	[tilespmem:s19], [sflag:$0x3] =	stream.indirect_vreg.gather [hbm4b:s7+s3], $0x80, v4, vm0, $0xb8;
	[tilespmem:$0x18100] =	vst v63  }
0x82: {  	s20 =	simm.s32 $0x10900  }
0x83: {  	[tilespmem:s20], [sflag:$0x3] =	stream.indirect_vreg.gather [hbm4b:s1+s3], $0x80, v3, vm0, $0xb8;
	[tilespmem:$0x18100] =	vst v63  }
0x84: {  	s21 =	simm.s32 $0x11100  }
0x85: {  	[tilespmem:s21], [sflag:$0x3] =	stream.indirect_vreg.gather [hbm4b:s6+s3], $0x80, v3, vm0, $0xb8;
	[tilespmem:$0x18100] =	vst v63  }
0x86: {  	s22 =	simm.s32 $0x11900  }
0x87: {  	[tilespmem:s22], [sflag:$0x3] =	stream.indirect_vreg.gather [hbm4b:s7+s3], $0x80, v3, vm0, $0xb8;
	[tilespmem:$0x18100] =	vst v63  }
0x88: {  	_ =	swait.ge [sflag:s30], $0xA0  }
0x89: {  	[sflag:s30] =	ssyncset.done $0x0  }
0x8a: {  	[sflag:s30] =	ssyncadd.s32 $0xFFFFFF60  }
0x8b: {  	_ =	swait.ge [sflag:s31], $0x6000  }
0x8c: {  	[sflag:s31] =	ssyncset.done $0x0  }
0x8d: {  	s4 =	rddreg [dreg:$0x7];
	[sflag:s31] =	ssyncadd.s32 $0xFFFFA000  }
0x8e: {  	[hbm4b:s4+s3] =	stream.linear.scatter [tilespmem:s2], [sflag:$0x5], $0x6000, $0x38;
	[tilespmem:$0x18100] =	vst v63  }
0x8f: {  	v3 =	vld [tilespmem:$0x60];
	_ =	sdelay $0x4  }
0x90: {  	v4 =	vshrl.u32 v3, $0x3  }
0x91: {  	v4 =	vmul.u32 $0x30, v4  }
0x92: {  	v3 =	vand.u32 $0x7, v3  }
0x93: {  	v3 =	vor.u32 v3, v4  }
0x94: {  	v4 =	vperm.xlane v3, v0;
	_ =	sdelay $0x1  }
0x95: {  	v4 =	vadd.s32 v1, v4;
	_ =	sdelay $0x3  }
0x96: {  	s5 =	simm.s32 $0x12100;
	v3 =	vperm.xlane v3, v2  }
0x97: {  	[tilespmem:s5], [sflag:$0x4] =	stream.indirect_vreg.gather [hbm4b:s1+s3], $0x80, v4, vm0, $0xb8;
	[tilespmem:$0x18100] =	vst v63  }
0x98: {  	s8 =	simm.s32 $0x12900;
	v3 =	vadd.s32 v1, v3  }
0x99: {  	[tilespmem:s8], [sflag:$0x4] =	stream.indirect_vreg.gather [hbm4b:s6+s3], $0x80, v4, vm0, $0xb8;
	[tilespmem:$0x18100] =	vst v63  }
0x9a: {  	s9 =	simm.s32 $0x13100  }
0x9b: {  	[tilespmem:s9], [sflag:$0x4] =	stream.indirect_vreg.gather [hbm4b:s7+s3], $0x80, v4, vm0, $0xb8;
	[tilespmem:$0x18100] =	vst v63  }
0x9c: {  	s12 =	simm.s32 $0x13900  }
0x9d: {  	[tilespmem:s12], [sflag:$0x4] =	stream.indirect_vreg.gather [hbm4b:s1+s3], $0x80, v3, vm0, $0xb8;
	[tilespmem:$0x18100] =	vst v63  }
0x9e: {  	s13 =	simm.s32 $0x14100  }
0x9f: {  	[tilespmem:s13], [sflag:$0x4] =	stream.indirect_vreg.gather [hbm4b:s6+s3], $0x80, v3, vm0, $0xb8;
	[tilespmem:$0x18100] =	vst v63  }
0xa0: {  	s14 =	simm.s32 $0x14900  }
0xa1: {  	[tilespmem:s14], [sflag:$0x4] =	stream.indirect_vreg.gather [hbm4b:s7+s3], $0x80, v3, vm0, $0xb8;
	[tilespmem:$0x18100] =	vst v63  }
0xa2: {  	v3 =	vld [tilespmem:$0x70];
	_ =	sdelay $0x4  }
0xa3: {  	v4 =	vshrl.u32 v3, $0x3  }
0xa4: {  	v4 =	vmul.u32 $0x30, v4  }
0xa5: {  	v3 =	vand.u32 $0x7, v3  }
0xa6: {  	v3 =	vor.u32 v3, v4  }
0xa7: {  	v4 =	vperm.xlane v3, v0;
	_ =	sdelay $0x1  }
0xa8: {  	v4 =	vadd.s32 v1, v4;
	_ =	sdelay $0x3  }
0xa9: {  	s15 =	simm.s32 $0x15100;
	v3 =	vperm.xlane v3, v2  }
0xaa: {  	[tilespmem:s15], [sflag:$0x4] =	stream.indirect_vreg.gather [hbm4b:s1+s3], $0x80, v4, vm0, $0xb8;
	[tilespmem:$0x18100] =	vst v63  }
0xab: {  	s16 =	simm.s32 $0x15900;
	v3 =	vadd.s32 v1, v3  }
0xac: {  	[tilespmem:s16], [sflag:$0x4] =	stream.indirect_vreg.gather [hbm4b:s6+s3], $0x80, v4, vm0, $0xb8;
	[tilespmem:$0x18100] =	vst v63  }
0xad: {  	s17 =	simm.s32 $0x16100  }
0xae: {  	[tilespmem:s17], [sflag:$0x4] =	stream.indirect_vreg.gather [hbm4b:s7+s3], $0x80, v4, vm0, $0xb8;
	[tilespmem:$0x18100] =	vst v63  }
0xaf: {  	s18 =	simm.s32 $0x16900;
	s21 =	simm.s32 $0x1  }
0xb0: {  	[tilespmem:s18], [sflag:$0x4] =	stream.indirect_vreg.gather [hbm4b:s1+s3], $0x80, v3, vm0, $0xb8;
	[tilespmem:$0x18100] =	vst v63  }
0xb1: {  	p1 =	por $0x0, $0x0;
	s19 =	simm.s32 $0x17100;
	s0 =	sand.u32 $0x3, s21  }
0xb2: {  	[tilespmem:s19], [sflag:$0x4] =	stream.indirect_vreg.gather [hbm4b:s6+s3], $0x80, v3, vm0, $0xb8;
	[tilespmem:$0x18100] =	vst v63  }
0xb3: {  	s20 =	simm.s32 $0x17900;
	s22 =	smul.u32 $0x18000, s0;
	s14 =	sadd.s32 $0x1, s0  }
0xb4: {  	[tilespmem:s20], [sflag:$0x4] =	stream.indirect_vreg.gather [hbm4b:s7+s3], $0x80, v3, vm0, $0xb8;
	[tilespmem:$0x18100] =	vst v63  }
0xb5: {  	s2 =	sshrl.u32 s22, $0x2;
	s12 =	simm.s32 $0x4;
	_ =	swait.ge [sflag:s14], $0x6000  }
0xb6: {  	s2 =	sor.u32 $0x100, s2;
	s12 =	sand.u32 @!p1 $0x3, s12;
	[sflag:s14] =	ssyncset.done $0x0  }
0xb7: {  	s0 =	sadd.s32 $0x5, s0;
	[sflag:s14] =	ssyncadd.s32 $0xFFFFA000;
	s14 =	sadd.s32 @!p1 $0x5, s12  }
0xb8: {  	[hbm4b:s10+s3] =	stream.linear.scatter [tilespmem:s2], [sflag:s0], $0x6000, $0x38;
	[tilespmem:$0x18100] =	vst v63  }
0xb9: {  	_ =	swait.ge @!p1 [sflag:s14], $0x6000  }
0xba: {  	[sflag:s14] =	ssyncset.done @!p1 $0x0  }
0xbb: {  	s29 =	simm.s32 $0x90;
	[sflag:s14] =	ssyncadd.s32 @!p1 $0xFFFFA000  }
0xbc: {  	v3 =	vld @!p1 [tilespmem:s29+$0xFFFFFFF0];
	_ =	sdelay $0x3  }
0xbd: {  	p0 =	por p1, p1  }
0xbe: {  	v4 =	vshrl.u32 @!p0 v3, $0x3  }
0xbf: {  	v4 =	vmul.u32 @!p0 $0x30, v4  }
0xc0: {  	v5 =	vlaneseq.u32 @!p1;
	v3 =	vand.u32 @!p0 $0x7, v3  }
0xc1: {  	v6 =	vshrl.u32 @!p1 v5, $0x3;
	v7 =	vand.u32 @!p0 $0x7, v5;
	v3 =	vor.u32 @!p0 v3, v4  }
0xc2: {  	v4 =	vmul.u32 @!p0 $0x8, v6;
	v6 =	vperm.xlane @!p0 v3, v7;
	_ =	sdelay $0x1  }
0xc3: {  	v6 =	vadd.s32 @!p0 v4, v6  }
0xc4: {  	s0 =	smul.u32 @!p1 $0x18000, s12;
	_ =	sdelay $0x1  }
0xc5: {  	v5 =	vor.u32 @!p0 $0x8, v5;
	s0 =	sshrl.u32 @!p1 s0, $0x2  }
0xc6: {  	vm1 =	vmmov @!p0 $0xffff;
	s15 =	simm.s32 @!p0 $0x0;
	s2 =	sor.u32 @!p1 $0x100, s0;
	s14 =	sadd.s32 @!p0 $0x1, s12;
	v3 =	vperm.xlane @!p0 v3, v5  }
0xc7: {  	[tilespmem:s2], [sflag:s14] =	stream.indirect_vreg.gather @!p0 [hbm4b:s1+s15], $0x80, v6, vm1, $0xb8;
	[tilespmem:$0x18100] =	vst v63  }
0xc8: {  	v3 =	vadd.s32 @!p0 v4, v3;
	s2 =	sor.u32 @!p1 $0x900, s0  }
0xc9: {  	[tilespmem:s2], [sflag:s14] =	stream.indirect_vreg.gather @!p0 [hbm4b:s6+s15], $0x80, v6, vm1, $0xb8;
	[tilespmem:$0x18100] =	vst v63  }
0xca: {  	s2 =	sor.u32 @!p1 $0x1100, s0  }
0xcb: {  	[tilespmem:s2], [sflag:s14] =	stream.indirect_vreg.gather @!p0 [hbm4b:s7+s15], $0x80, v6, vm1, $0xb8;
	[tilespmem:$0x18100] =	vst v63  }
0xcc: {  	s2 =	sor.u32 @!p1 $0x1900, s0  }
0xcd: {  	[tilespmem:s2], [sflag:s14] =	stream.indirect_vreg.gather @!p0 [hbm4b:s1+s15], $0x80, v3, vm1, $0xb8;
	[tilespmem:$0x18100] =	vst v63  }
0xce: {  	s2 =	sadd.s32 @!p1 $0x2100, s0  }
0xcf: {  	[tilespmem:s2], [sflag:s14] =	stream.indirect_vreg.gather @!p0 [hbm4b:s6+s15], $0x80, v3, vm1, $0xb8;
	[tilespmem:$0x18100] =	vst v63  }
0xd0: {  	s2 =	sadd.s32 @!p1 $0x2900, s0  }
0xd1: {  	[tilespmem:s2], [sflag:s14] =	stream.indirect_vreg.gather @!p0 [hbm4b:s7+s15], $0x80, v3, vm1, $0xb8;
	[tilespmem:$0x18100] =	vst v63  }
0xd2: {  	v3 =	vld @!p0 [tilespmem:s29+$0x0];
	_ =	sdelay $0x4  }
0xd3: {  	v6 =	vshrl.u32 @!p0 v3, $0x3  }
0xd4: {  	v6 =	vmul.u32 @!p0 $0x30, v6  }
0xd5: {  	v3 =	vand.u32 @!p0 $0x7, v3  }
0xd6: {  	v3 =	vor.u32 @!p0 v3, v6  }
0xd7: {  	v6 =	vperm.xlane @!p0 v3, v7;
	_ =	sdelay $0x1  }
0xd8: {  	v6 =	vadd.s32 @!p0 v4, v6;
	_ =	sdelay $0x3  }
0xd9: {  	s2 =	sadd.s32 @!p1 $0x3100, s0;
	v3 =	vperm.xlane @!p0 v3, v5  }
0xda: {  	[tilespmem:s2], [sflag:s14] =	stream.indirect_vreg.gather @!p0 [hbm4b:s1+s15], $0x80, v6, vm1, $0xb8;
	[tilespmem:$0x18100] =	vst v63  }
0xdb: {  	v3 =	vadd.s32 @!p0 v4, v3;
	s2 =	sadd.s32 @!p1 $0x3900, s0  }
0xdc: {  	[tilespmem:s2], [sflag:s14] =	stream.indirect_vreg.gather @!p0 [hbm4b:s6+s15], $0x80, v6, vm1, $0xb8;
	[tilespmem:$0x18100] =	vst v63  }
0xdd: {  	s2 =	sadd.s32 @!p1 $0x4100, s0  }
0xde: {  	[tilespmem:s2], [sflag:s14] =	stream.indirect_vreg.gather @!p0 [hbm4b:s7+s15], $0x80, v6, vm1, $0xb8;
	[tilespmem:$0x18100] =	vst v63  }
0xdf: {  	s17 =	sadd.s32 @!p1 $0x5100, s0;
	s16 =	sadd.s32 @!p1 $0x5900, s0;
	s2 =	sadd.s32 @!p1 $0x4900, s0  }
0xe0: {  	[tilespmem:s2], [sflag:s14] =	stream.indirect_vreg.gather @!p0 [hbm4b:s1+s15], $0x80, v3, vm1, $0xb8;
	[tilespmem:$0x18100] =	vst v63  }
0xe1: {  	s12 =	simm.s32 $0x5;
	s0 =	sadd.s32 $0xC00, s10;
	s2 =	simm.s32 $0x6  }
.LBB2_2:
0xe2: {  	s18 =	sadd.s32 $0xFFFFFFFD, s12  }
0xe3: {  	s29 =	sadd.s32 $0x20, s29;
	s19 =	smov.u32 s2;
	s2 =	sadd.s32 $0x1, s2  }
0xe4: {  	[tilespmem:s17], [sflag:s14] =	stream.indirect_vreg.gather @!p0 [hbm4b:s6+s15], $0x80, v3, vm1, $0xb8;
	[tilespmem:$0x18100] =	vst v63  }
0xe5: {  	p1 =	sne.s32 s2, $0xB;
	s17 =	sand.u32 $0x3, s18  }
0xe6: {  	p2 =	sgt.u32 s18, $0x4;
	s20 =	sadd.s32 $0x1, s17;
	s21 =	smul.u32 $0x18000, s17  }
0xe7: {  	[tilespmem:s16], [sflag:s14] =	stream.indirect_vreg.gather @!p0 [hbm4b:s7+s15], $0x80, v3, vm1, $0xb8;
	[tilespmem:$0x18100] =	vst v63  }
0xe8: {  	s14 =	sshrl.u32 s21, $0x2;
	s15 =	sand.u32 @!p2 $0x3, s12;
	v3 =	vlaneseq.u32 @!p2;
	_ =	swait.ge [sflag:s20], $0x6000  }
0xe9: {  	s12 =	sor.u32 $0x100, s14;
	s14 =	smul.u32 @!p2 $0x18000, s15;
	v4 =	vshrl.u32 @!p2 v3, $0x3;
	[sflag:s20] =	ssyncset.done $0x0  }
0xea: {  	s16 =	sadd.s32 $0x5, s17;
	s17 =	sadd.s32 @!p2 $0x5, s15;
	[sflag:s20] =	ssyncadd.s32 $0xFFFFA000  }
0xeb: {  	[hbm4b:s0+s3] =	stream.linear.scatter [tilespmem:s12], [sflag:s16], $0x6000, $0x38;
	[tilespmem:$0x18100] =	vst v63  }
0xec: {  	s14 =	sshrl.u32 @!p2 s14, $0x2;
	s12 =	smov.u32 s19;
	_ =	swait.ge @!p2 [sflag:s17], $0x6000  }
0xed: {  	s22 =	sor.u32 @!p2 $0x100, s14;
	s4 =	sor.u32 @!p2 $0x900, s14;
	[sflag:s17] =	ssyncset.done @!p2 $0x0  }
0xee: {  	s13 =	sor.u32 @!p2 $0x1100, s14;
	s5 =	sor.u32 @!p2 $0x1900, s14;
	[sflag:s17] =	ssyncadd.s32 @!p2 $0xFFFFA000  }
0xef: {  	s8 =	sadd.s32 @!p2 $0x2900, s14;
	s21 =	sadd.s32 @!p2 $0x3100, s14;
	s20 =	sadd.s32 @!p2 $0x3900, s14;
	v5 =	vld @!p2 [tilespmem:s29+$0xFFFFFFF0]  }
0xf0: {  	s19 =	sadd.s32 @!p2 $0x4100, s14;
	s18 =	sadd.s32 @!p2 $0x4900, s14;
	s17 =	sadd.s32 @!p2 $0x5100, s14  }
0xf1: {  	p0 =	por p2, p2;
	s9 =	sadd.s32 @!p2 $0x2100, s14;
	s16 =	sadd.s32 @!p2 $0x5900, s14  }
0xf2: {  	_ =	sdelay $0x1  }
0xf3: {  	v6 =	vshrl.u32 @!p0 v5, $0x3;
	v5 =	vand.u32 @!p0 $0x7, v5  }
0xf4: {  	v6 =	vmul.u32 @!p0 $0x30, v6  }
0xf5: {  	v7 =	vand.u32 @!p0 $0x7, v3;
	v3 =	vor.u32 @!p0 $0x8, v3  }
0xf6: {  	v4 =	vmul.u32 @!p0 $0x8, v4;
	v5 =	vor.u32 @!p0 v5, v6  }
0xf7: {  	v6 =	vperm.xlane @!p0 v5, v7;
	v5 =	vperm.xlane @!p0 v5, v3;
	_ =	sdelay $0x1  }
0xf8: {  	v6 =	vadd.s32 @!p0 v4, v6;
	_ =	sdelay $0x2  }
0xf9: {  	vm1 =	vmmov @!p0 $0xffff;
	s14 =	sadd.s32 @!p0 $0x1, s15;
	s15 =	simm.s32 @!p0 $0x0;
	_ =	sdelay $0x1  }
0xfa: {  	v5 =	vadd.s32 @!p0 v4, v5;
	[tilespmem:s22], [sflag:s14] =	stream.indirect_vreg.gather @!p0 [hbm4b:s1+s15], $0x80, v6, vm1, $0xb8;
	[tilespmem:$0x18100] =	vst v63  }
0xfb: {  	_ = 	snop  }
0xfc: {  	[tilespmem:s4], [sflag:s14] =	stream.indirect_vreg.gather @!p0 [hbm4b:s6+s15], $0x80, v6, vm1, $0xb8;
	[tilespmem:$0x18100] =	vst v63  }
0xfd: {  	_ = 	snop  }
0xfe: {  	[tilespmem:s13], [sflag:s14] =	stream.indirect_vreg.gather @!p0 [hbm4b:s7+s15], $0x80, v6, vm1, $0xb8;
	[tilespmem:$0x18100] =	vst v63  }
0xff: {  	_ = 	snop  }
0x100: {  	[tilespmem:s5], [sflag:s14] =	stream.indirect_vreg.gather @!p0 [hbm4b:s1+s15], $0x80, v5, vm1, $0xb8;
	[tilespmem:$0x18100] =	vst v63  }
0x101: {  	_ = 	snop  }
0x102: {  	[tilespmem:s9], [sflag:s14] =	stream.indirect_vreg.gather @!p0 [hbm4b:s6+s15], $0x80, v5, vm1, $0xb8;
	[tilespmem:$0x18100] =	vst v63  }
0x103: {  	_ = 	snop  }
0x104: {  	[tilespmem:s8], [sflag:s14] =	stream.indirect_vreg.gather @!p0 [hbm4b:s7+s15], $0x80, v5, vm1, $0xb8;
	[tilespmem:$0x18100] =	vst v63  }
0x105: {  	v5 =	vld @!p0 [tilespmem:s29+$0x0];
	_ =	sdelay $0x4  }
0x106: {  	v6 =	vshrl.u32 @!p0 v5, $0x3;
	v5 =	vand.u32 @!p0 $0x7, v5  }
0x107: {  	v6 =	vmul.u32 @!p0 $0x30, v6;
	_ =	sdelay $0x1  }
0x108: {  	v5 =	vor.u32 @!p0 v5, v6  }
0x109: {  	v6 =	vperm.xlane @!p0 v5, v7;
	v3 =	vperm.xlane @!p0 v5, v3;
	_ =	sdelay $0x1  }
0x10a: {  	v5 =	vadd.s32 @!p0 v4, v6;
	_ =	sdelay $0x4  }
0x10b: {  	v3 =	vadd.s32 @!p0 v4, v3;
	[tilespmem:s21], [sflag:s14] =	stream.indirect_vreg.gather @!p0 [hbm4b:s1+s15], $0x80, v5, vm1, $0xb8;
	[tilespmem:$0x18100] =	vst v63  }
0x10c: {  	_ = 	snop  }
0x10d: {  	[tilespmem:s20], [sflag:s14] =	stream.indirect_vreg.gather @!p0 [hbm4b:s6+s15], $0x80, v5, vm1, $0xb8;
	[tilespmem:$0x18100] =	vst v63  }
.Ltmp0:
0x10e: {  	_ = 	snop;
	(pc) =	sbr.rel @p1 .LBB2_2-.Ltmp0, $4  }
0x10f: {  	_ = 	snop  }
0x110: {  	[tilespmem:s19], [sflag:s14] =	stream.indirect_vreg.gather @!p0 [hbm4b:s7+s15], $0x80, v5, vm1, $0xb8;
	[tilespmem:$0x18100] =	vst v63  }
0x111: {  	s0 =	sadd.s32 $0xC00, s0  }
0x112: {  	[tilespmem:s18], [sflag:s14] =	stream.indirect_vreg.gather @!p0 [hbm4b:s1+s15], $0x80, v3, vm1, $0xb8;
	[tilespmem:$0x18100] =	vst v63  }
0x113: {  	_ =	sdelay $0x2  }
0x114: {  	s2 =	sadd.s32 $0xFFFFFFFD, s12  }
0x115: {  	[tilespmem:s17], [sflag:s14] =	stream.indirect_vreg.gather @!p0 [hbm4b:s6+s15], $0x80, v3, vm1, $0xb8;
	[tilespmem:$0x18100] =	vst v63  }
0x116: {  	s4 =	sand.u32 $0x3, s2  }
0x117: {  	s5 =	sadd.s32 $0x1, s4;
	s8 =	smul.u32 $0x18000, s4  }
0x118: {  	[tilespmem:s16], [sflag:s14] =	stream.indirect_vreg.gather @!p0 [hbm4b:s7+s15], $0x80, v3, vm1, $0xb8;
	[tilespmem:$0x18100] =	vst v63  }
0x119: {  	p0 =	sgt.u32 s2, $0x4;
	s4 =	sadd.s32 $0x5, s4;
	_ =	swait.ge [sflag:s5], $0x6000  }
0x11a: {  	s22 =	sshrl.u32 s8, $0x2;
	s8 =	sand.u32 @!p0 $0x3, s12;
	[sflag:s5] =	ssyncset.done $0x0  }
0x11b: {  	s2 =	sor.u32 $0x100, s22;
	[sflag:s5] =	ssyncadd.s32 $0xFFFFA000;
	s5 =	sadd.s32 @!p0 $0x5, s8  }
0x11c: {  	[hbm4b:s0+s3] =	stream.linear.scatter [tilespmem:s2], [sflag:s4], $0x6000, $0x38;
	[tilespmem:$0x18100] =	vst v63  }
0x11d: {  	_ =	swait.ge @!p0 [sflag:s5], $0x6000  }
0x11e: {  	[sflag:s5] =	ssyncset.done @!p0 $0x0  }
0x11f: {  	s0 =	sadd.s32 $0x20, s29;
	[sflag:s5] =	ssyncadd.s32 @!p0 $0xFFFFA000  }
0x120: {  	v3 =	vld @!p0 [tilespmem:s0+$0xFFFFFFF0];
	_ =	sdelay $0x3  }
0x121: {  	p1 =	por p0, p0  }
0x122: {  	v4 =	vshrl.u32 @!p1 v3, $0x3  }
0x123: {  	v4 =	vmul.u32 @!p1 $0x30, v4  }
0x124: {  	v5 =	vlaneseq.u32 @!p0;
	v3 =	vand.u32 @!p1 $0x7, v3  }
0x125: {  	v6 =	vshrl.u32 @!p0 v5, $0x3;
	v7 =	vand.u32 @!p1 $0x7, v5;
	v3 =	vor.u32 @!p1 v3, v4  }
0x126: {  	v4 =	vmul.u32 @!p1 $0x8, v6;
	v6 =	vperm.xlane @!p1 v3, v7;
	_ =	sdelay $0x1  }
0x127: {  	v6 =	vadd.s32 @!p1 v4, v6  }
0x128: {  	s2 =	smul.u32 @!p0 $0x18000, s8;
	_ =	sdelay $0x1  }
0x129: {  	v5 =	vor.u32 @!p1 $0x8, v5;
	s2 =	sshrl.u32 @!p0 s2, $0x2  }
0x12a: {  	vm1 =	vmmov @!p1 $0xffff;
	s4 =	sor.u32 @!p0 $0x100, s2;
	s5 =	sadd.s32 @!p1 $0x1, s8;
	s8 =	simm.s32 @!p1 $0x0;
	v3 =	vperm.xlane @!p1 v3, v5  }
0x12b: {  	[tilespmem:s4], [sflag:s5] =	stream.indirect_vreg.gather @!p1 [hbm4b:s1+s8], $0x80, v6, vm1, $0xb8;
	[tilespmem:$0x18100] =	vst v63  }
0x12c: {  	v3 =	vadd.s32 @!p1 v4, v3;
	s4 =	sor.u32 @!p0 $0x900, s2  }
0x12d: {  	[tilespmem:s4], [sflag:s5] =	stream.indirect_vreg.gather @!p1 [hbm4b:s6+s8], $0x80, v6, vm1, $0xb8;
	[tilespmem:$0x18100] =	vst v63  }
0x12e: {  	s4 =	sor.u32 @!p0 $0x1100, s2  }
0x12f: {  	[tilespmem:s4], [sflag:s5] =	stream.indirect_vreg.gather @!p1 [hbm4b:s7+s8], $0x80, v6, vm1, $0xb8;
	[tilespmem:$0x18100] =	vst v63  }
0x130: {  	s4 =	sor.u32 @!p0 $0x1900, s2  }
0x131: {  	[tilespmem:s4], [sflag:s5] =	stream.indirect_vreg.gather @!p1 [hbm4b:s1+s8], $0x80, v3, vm1, $0xb8;
	[tilespmem:$0x18100] =	vst v63  }
0x132: {  	s4 =	sadd.s32 @!p0 $0x2100, s2  }
0x133: {  	[tilespmem:s4], [sflag:s5] =	stream.indirect_vreg.gather @!p1 [hbm4b:s6+s8], $0x80, v3, vm1, $0xb8;
	[tilespmem:$0x18100] =	vst v63  }
0x134: {  	s4 =	sadd.s32 @!p0 $0x2900, s2  }
0x135: {  	[tilespmem:s4], [sflag:s5] =	stream.indirect_vreg.gather @!p1 [hbm4b:s7+s8], $0x80, v3, vm1, $0xb8;
	[tilespmem:$0x18100] =	vst v63  }
0x136: {  	v3 =	vld @!p1 [tilespmem:s0+$0x0];
	_ =	sdelay $0x4  }
0x137: {  	v6 =	vshrl.u32 @!p1 v3, $0x3  }
0x138: {  	v6 =	vmul.u32 @!p1 $0x30, v6  }
0x139: {  	v3 =	vand.u32 @!p1 $0x7, v3  }
0x13a: {  	v3 =	vor.u32 @!p1 v3, v6  }
0x13b: {  	v6 =	vperm.xlane @!p1 v3, v7;
	_ =	sdelay $0x1  }
0x13c: {  	v6 =	vadd.s32 @!p1 v4, v6;
	_ =	sdelay $0x3  }
0x13d: {  	s0 =	sadd.s32 @!p0 $0x3100, s2;
	v3 =	vperm.xlane @!p1 v3, v5  }
0x13e: {  	[tilespmem:s0], [sflag:s5] =	stream.indirect_vreg.gather @!p1 [hbm4b:s1+s8], $0x80, v6, vm1, $0xb8;
	[tilespmem:$0x18100] =	vst v63  }
0x13f: {  	v3 =	vadd.s32 @!p1 v4, v3;
	s0 =	sadd.s32 @!p0 $0x3900, s2  }
0x140: {  	[tilespmem:s0], [sflag:s5] =	stream.indirect_vreg.gather @!p1 [hbm4b:s6+s8], $0x80, v6, vm1, $0xb8;
	[tilespmem:$0x18100] =	vst v63  }
0x141: {  	s0 =	sadd.s32 @!p0 $0x4100, s2  }
0x142: {  	[tilespmem:s0], [sflag:s5] =	stream.indirect_vreg.gather @!p1 [hbm4b:s7+s8], $0x80, v6, vm1, $0xb8;
	[tilespmem:$0x18100] =	vst v63  }
0x143: {  	s0 =	sadd.s32 @!p0 $0x4900, s2  }
0x144: {  	[tilespmem:s0], [sflag:s5] =	stream.indirect_vreg.gather @!p1 [hbm4b:s1+s8], $0x80, v3, vm1, $0xb8;
	[tilespmem:$0x18100] =	vst v63  }
0x145: {  	s0 =	sadd.s32 @!p0 $0x5100, s2  }
0x146: {  	[tilespmem:s0], [sflag:s5] =	stream.indirect_vreg.gather @!p1 [hbm4b:s6+s8], $0x80, v3, vm1, $0xb8;
	[tilespmem:$0x18100] =	vst v63  }
0x147: {  	s0 =	sadd.s32 @!p0 $0x5900, s2  }
0x148: {  	[tilespmem:s0], [sflag:s5] =	stream.indirect_vreg.gather @!p1 [hbm4b:s7+s8], $0x80, v3, vm1, $0xb8;
	[tilespmem:$0x18100] =	vst v63  }
0x149: {  	_ =	swait.ge [sflag:s23], $0x6000  }
0x14a: {  	[sflag:s23] =	ssyncset.done $0x0  }
0x14b: {  	[sflag:s23] =	ssyncadd.s32 $0xFFFFA000  }
0x14c: {  	_ =	swait.ge [sflag:s24], $0x6000  }
0x14d: {  	[sflag:s24] =	ssyncset.done $0x0  }
0x14e: {  	[sflag:s24] =	ssyncadd.s32 $0xFFFFA000  }
0x14f: {  	_ =	swait.ge [sflag:s25], $0x6000  }
0x150: {  	[sflag:s25] =	ssyncset.done $0x0  }
0x151: {  	[sflag:s25] =	ssyncadd.s32 $0xFFFFA000  }
0x152: {  	_ =	swait.ge [sflag:s26], $0x6000  }
0x153: {  	s28 =	sadd.s32 $0x1, s28;
	s29 =	rddreg [dreg:$0x6]  }
0x154: {  	p0 =	sne.s32 s28, s29  }
.Ltmp1:
0x155: {  	_ = 	snop;
	(pc) =	sbr.rel @p0 .LBB2_1-.Ltmp1, $3  }
0x156: {  	_ =	sdelay $0x1  }
0x157: {  	[sflag:s26] =	ssyncset.done $0x0  }
0x158: {  	[sflag:s26] =	ssyncadd.s32 $0xFFFFA000  }
0x159: {  	_ =	sfence.sel $0x180000  }
0x15a: {  	[bflag:$0x0] =	sbarrier.arrive $0xFFFF  }
0x15b: {  	_ =	strace $0x90000047  }
0x15c: {  	s0 =	stileid.u32;
	[bflag:$0x2] =	sbarrier.arrive $0xFFFF  }
0x15d: {  	p0 =	sne.s32 s0, $0x0;
	s0 =	rddreg [dreg:$0x3]  }
0x15e: {  	s0 =	sadd.s32 @!p0 $0x100000, s0  }
0x15f: {  	[sflag:s0] =	ssyncadd.tile.s32 @!p0 $0x1;
	_ =	shalt  }
.Lfunc_end2:
_tile_overlayer_lowered:
.L_overlay_start_2:
0x160: {  	(tag) =	ssettag $0x2  }
0x161: {  	s0 =	rddreg [dreg:$0x0];
	s2 =	stileid.u32  }
0x162: {  	s1 =	rddreg [dreg:$0x1];
	p0 =	sne.s32 s2, $0x0  }
0x163: {  	s3 =	rddreg [dreg:$0x2];
	[bflag:$0x3] =	sbarrier.arrive $0xFFFF;
	s2 =	simm.s32 @!p0 $0x1C0A  }
0x164: {  	[timem:s3], [sflag:s2] =	dma.local @!p0 [hbm:s0], s1  }
0x165: {  	s0 =	simm.s32 @!p0 $0xA  }
0x166: {  	_ =	swait.ge @!p0 [sflag:s0], s1  }
0x167: {  	s1 =	ssub.s32 @!p0 $0x0, s1;
	[sflag:s0] =	ssyncset.done @!p0 $0x0  }
0x168: {  	[sflag:s0] =	ssyncadd.s32 @!p0 s1  }
0x169: {  	[bflag:$0x3] =	sbarrier.arrive $0xFFFF  }
0x16a: {  	_ =	shalt  }

</sc_bundles>
